<compile_context>
chip_gen: v7x
topology: tpu7x:2x2x1
jax: 0.10.2.dev20260603
libtpu: 0.0.44.dev20260713+nightly
codegen_flags: <defaults>
</compile_context>

<pallas_src>
import functools

import jax
import jax.numpy as jnp
from jax import lax
from jax.experimental import pallas as pl
from jax.experimental.pallas import tpu as pltpu
from jax.experimental.pallas import tpu_sc as plsc

NUM_POSITIONS = 2048
D = 2048
B = 4 * 2048

NC, NS = 2, 16
NW = NC * NS
CHUNK = 8
NBUF = 7


def _sc_gather(table, idx_flat, n_rows):
    b_per_w = n_rows // NW
    nchunk = b_per_w // CHUNK
    mesh = plsc.VectorSubcoreMesh(core_axis_name="c", subcore_axis_name="s")

    @functools.partial(
        pl.kernel,
        out_type=jax.ShapeDtypeStruct((n_rows, D), jnp.float32),
        mesh=mesh,
        scratch_types=(
            [pltpu.VMEM((b_per_w,), jnp.int32)]
            + [pltpu.VMEM((CHUNK, D), jnp.float32) for _ in range(NBUF)]
            + [pltpu.SemaphoreType.DMA for _ in range(2 * NBUF)]
        ),
    )
    def k(table_hbm, idx_hbm, out_hbm, idx_v, *rest):
        bufs = rest[:NBUF]
        gsem = rest[NBUF:2 * NBUF]
        osem = rest[2 * NBUF:]

        wid = lax.axis_index("s") * NC + lax.axis_index("c")
        base = wid * b_per_w
        pltpu.sync_copy(idx_hbm.at[pl.ds(base, b_per_w)], idx_v)

        def issue_gather(c):
            b = c % NBUF
            return pltpu.async_copy(
                table_hbm.at[idx_v.at[pl.ds(c * CHUNK, CHUNK)]],
                bufs[b],
                gsem[b],
            )

        gather_cp = [None] * NBUF
        out_cp = [None] * NBUF
        for c in range(min(NBUF, nchunk)):
            gather_cp[c] = issue_gather(c)
        for c in range(nchunk):
            b = c % NBUF
            gather_cp[b].wait()
            out_cp[b] = pltpu.async_copy(
                bufs[b],
                out_hbm.at[pl.ds(base + c * CHUNK, CHUNK)],
                osem[b],
            )
            n = c + NBUF
            if n < nchunk:
                out_cp[b].wait()
                gather_cp[b] = issue_gather(n)
                out_cp[b] = None
        for cp in out_cp:
            if cp is not None:
                cp.wait()

    return k(table, idx_flat)


def kernel(input_, W):
    idx_flat = input_.reshape(B).astype(jnp.int32)
    out = _sc_gather(W, idx_flat, B)
    return out.reshape(input_.shape[0], input_.shape[1], NUM_POSITIONS)

# --- scband reference (transcript-rebuilt; emitter-appended) ---
"""Pipeline reference for scband-position-embedding-45457933861415 (READ-ONLY COPY).

The authoritative reference and input builder live on the scoring server;
editing this copy changes nothing except your own understanding.
"""

import jax, jax.numpy as jnp
import numpy as np

NUM_POSITIONS = 2048
BATCH = 4
SEQ_LEN = 2048

def setup_inputs(seed: int = 0) -> dict:
    key = jax.random.key(seed)
    input_ = jax.random.randint(key, (BATCH, SEQ_LEN), 0, NUM_POSITIONS, dtype=jnp.int64 if jax.config.jax_enable_x64 else jnp.int32)
    # PositionEmbedding initializes the embedding table to the identity matrix
    # (one-hot position encodings); weight is frozen in the original torch module.
    W = jnp.eye(NUM_POSITIONS, dtype=jnp.float32)
    return {"input_": input_, "W": W}

def reference(input_, W):
    # nn.Embedding lookup: gather rows of the identity table -> one-hot vectors
    return jnp.take(W, input_, axis=0)

if __name__ == "__main__":
    import jax
    _d = setup_inputs()
    print(jax.jit(kernel)(*tuple(_d.values())))

</pallas_src>

<mosaic_0001>
#map = affine_map<(d0, d1) -> (0, 0)>
#map1 = affine_map<(d0, d1) -> (0)>
module attributes {stable_mosaic.version = 14 : i64} {
  func.func @k(%arg0: i32, %arg1: i32, %arg2: memref<2048x2048xf32, #tpu.memory_space<hbm>>, %arg3: memref<8192xi32, #tpu.memory_space<hbm>>, %arg4: memref<8192x2048xf32, #tpu.memory_space<hbm>>, %arg5: memref<256xi32, #tpu.memory_space<vmem>>, %arg6: memref<8x2048xf32, #tpu.memory_space<vmem>>, %arg7: memref<8x2048xf32, #tpu.memory_space<vmem>>, %arg8: memref<8x2048xf32, #tpu.memory_space<vmem>>, %arg9: memref<8x2048xf32, #tpu.memory_space<vmem>>, %arg10: memref<8x2048xf32, #tpu.memory_space<vmem>>, %arg11: memref<8x2048xf32, #tpu.memory_space<vmem>>, %arg12: memref<8x2048xf32, #tpu.memory_space<vmem>>, %arg13: memref<!tpu.dma_semaphore, #tpu.memory_space<semaphore_mem>>, %arg14: memref<!tpu.dma_semaphore, #tpu.memory_space<semaphore_mem>>, %arg15: memref<!tpu.dma_semaphore, #tpu.memory_space<semaphore_mem>>, %arg16: memref<!tpu.dma_semaphore, #tpu.memory_space<semaphore_mem>>, %arg17: memref<!tpu.dma_semaphore, #tpu.memory_space<semaphore_mem>>, %arg18: memref<!tpu.dma_semaphore, #tpu.memory_space<semaphore_mem>>, %arg19: memref<!tpu.dma_semaphore, #tpu.memory_space<semaphore_mem>>, %arg20: memref<!tpu.dma_semaphore, #tpu.memory_space<semaphore_mem>>, %arg21: memref<!tpu.dma_semaphore, #tpu.memory_space<semaphore_mem>>, %arg22: memref<!tpu.dma_semaphore, #tpu.memory_space<semaphore_mem>>, %arg23: memref<!tpu.dma_semaphore, #tpu.memory_space<semaphore_mem>>, %arg24: memref<!tpu.dma_semaphore, #tpu.memory_space<semaphore_mem>>, %arg25: memref<!tpu.dma_semaphore, #tpu.memory_space<semaphore_mem>>, %arg26: memref<!tpu.dma_semaphore, #tpu.memory_space<semaphore_mem>>) attributes {dimension_semantics = [#tpu.dimension_semantics<core_parallel>, #tpu.dimension_semantics<subcore_parallel>], iteration_bounds = array<i64: 2, 16>, scalar_prefetch = 0 : i64, scratch_operands = 22 : i64, tpu.core_type = #tpu.core_type<sc_vector_subcore>, window_params = [{transform_indices = #map}, {transform_indices = #map1}, {transform_indices = #map}]} {
    %mul3A = arith.constant 2 : i32
    %mul3A_0 = arith.muli %arg1, %mul3A : i32
    %add3A = arith.addi %mul3A_0, %arg0 : i32
    %mul3A_1 = arith.constant 256 : i32
    %mul3A_2 = arith.muli %add3A, %mul3A_1 : i32
    "tpu.region"() ({
      %run_scoped3A = tpu.sem_alloc : memref<!tpu.dma_semaphore, #tpu.memory_space<semaphore_mem>>
      %dma_start3A_641 = tpu.memref_slice %arg3[%mul3A_2] : memref<8192xi32, #tpu.memory_space<hbm>> -> memref<256xi32, #tpu.memory_space<hbm>>
      %dma_start3A_642 = tpu.memref_slice %arg3[%mul3A_2] : memref<8192xi32, #tpu.memory_space<hbm>> -> memref<256xi32, #tpu.memory_space<hbm>>
      tpu.enqueue_dma source(%dma_start3A_642 : memref<256xi32, #tpu.memory_space<hbm>>) target(%arg5 : memref<256xi32, #tpu.memory_space<vmem>>) target_semaphore(%run_scoped3A : memref<!tpu.dma_semaphore, #tpu.memory_space<semaphore_mem>>)
      %dma_wait3A_643 = tpu.memref_slice %arg3[%mul3A_2] : memref<8192xi32, #tpu.memory_space<hbm>> -> memref<256xi32, #tpu.memory_space<hbm>>
      %dma_wait3A_644 = tpu.memref_slice %arg3[%mul3A_2] : memref<8192xi32, #tpu.memory_space<hbm>> -> memref<256xi32, #tpu.memory_space<hbm>>
      tpu.wait_dma2 semaphore(%run_scoped3A : memref<!tpu.dma_semaphore, #tpu.memory_space<semaphore_mem>>) src(%dma_wait3A_644 : memref<256xi32, #tpu.memory_space<hbm>>) dst(%arg5 : memref<256xi32, #tpu.memory_space<vmem>>)
      tpu.yield
    }) : () -> ()
    %dma_start3A = arith.constant 0 : i32
    %dma_start3A_3 = tpu.memref_slice %arg5[%dma_start3A] : memref<256xi32, #tpu.memory_space<vmem>> -> memref<8xi32, #tpu.memory_space<vmem>>
    %dma_start3A_4 = arith.constant 0 : i32
    %dma_start3A_5 = arith.constant 0 : i32
    %dma_start3A_6 = tpu.memref_slice %arg2[%dma_start3A_4, %dma_start3A_5] : memref<2048x2048xf32, #tpu.memory_space<hbm>> -> memref<2048x2048xf32, #tpu.memory_space<hbm>>
    tpu.enqueue_indirect_dma source(%dma_start3A_6 : memref<2048x2048xf32, #tpu.memory_space<hbm>>) target(%arg6 : memref<8x2048xf32, #tpu.memory_space<vmem>>) offsets(%dma_start3A_3 : memref<8xi32, #tpu.memory_space<vmem>>) semaphore(%arg13 : memref<!tpu.dma_semaphore, #tpu.memory_space<semaphore_mem>>)
    %dma_start3A_7 = arith.constant 8 : i32
    %dma_start3A_8 = tpu.memref_slice %arg5[%dma_start3A_7] : memref<256xi32, #tpu.memory_space<vmem>> -> memref<8xi32, #tpu.memory_space<vmem>>
    %dma_start3A_9 = arith.constant 0 : i32
    %dma_start3A_10 = arith.constant 0 : i32
    %dma_start3A_11 = tpu.memref_slice %arg2[%dma_start3A_9, %dma_start3A_10] : memref<2048x2048xf32, #tpu.memory_space<hbm>> -> memref<2048x2048xf32, #tpu.memory_space<hbm>>
    tpu.enqueue_indirect_dma source(%dma_start3A_11 : memref<2048x2048xf32, #tpu.memory_space<hbm>>) target(%arg7 : memref<8x2048xf32, #tpu.memory_space<vmem>>) offsets(%dma_start3A_8 : memref<8xi32, #tpu.memory_space<vmem>>) semaphore(%arg14 : memref<!tpu.dma_semaphore, #tpu.memory_space<semaphore_mem>>)
    %dma_start3A_12 = arith.constant 16 : i32
    %dma_start3A_13 = tpu.memref_slice %arg5[%dma_start3A_12] : memref<256xi32, #tpu.memory_space<vmem>> -> memref<8xi32, #tpu.memory_space<vmem>>
    %dma_start3A_14 = arith.constant 0 : i32
    %dma_start3A_15 = arith.constant 0 : i32
    %dma_start3A_16 = tpu.memref_slice %arg2[%dma_start3A_14, %dma_start3A_15] : memref<2048x2048xf32, #tpu.memory_space<hbm>> -> memref<2048x2048xf32, #tpu.memory_space<hbm>>
    tpu.enqueue_indirect_dma source(%dma_start3A_16 : memref<2048x2048xf32, #tpu.memory_space<hbm>>) target(%arg8 : memref<8x2048xf32, #tpu.memory_space<vmem>>) offsets(%dma_start3A_13 : memref<8xi32, #tpu.memory_space<vmem>>) semaphore(%arg15 : memref<!tpu.dma_semaphore, #tpu.memory_space<semaphore_mem>>)
    %dma_start3A_17 = arith.constant 24 : i32
    %dma_start3A_18 = tpu.memref_slice %arg5[%dma_start3A_17] : memref<256xi32, #tpu.memory_space<vmem>> -> memref<8xi32, #tpu.memory_space<vmem>>
    %dma_start3A_19 = arith.constant 0 : i32
    %dma_start3A_20 = arith.constant 0 : i32
    %dma_start3A_21 = tpu.memref_slice %arg2[%dma_start3A_19, %dma_start3A_20] : memref<2048x2048xf32, #tpu.memory_space<hbm>> -> memref<2048x2048xf32, #tpu.memory_space<hbm>>
    tpu.enqueue_indirect_dma source(%dma_start3A_21 : memref<2048x2048xf32, #tpu.memory_space<hbm>>) target(%arg9 : memref<8x2048xf32, #tpu.memory_space<vmem>>) offsets(%dma_start3A_18 : memref<8xi32, #tpu.memory_space<vmem>>) semaphore(%arg16 : memref<!tpu.dma_semaphore, #tpu.memory_space<semaphore_mem>>)
    %dma_start3A_22 = arith.constant 32 : i32
    %dma_start3A_23 = tpu.memref_slice %arg5[%dma_start3A_22] : memref<256xi32, #tpu.memory_space<vmem>> -> memref<8xi32, #tpu.memory_space<vmem>>
    %dma_start3A_24 = arith.constant 0 : i32
    %dma_start3A_25 = arith.constant 0 : i32
    %dma_start3A_26 = tpu.memref_slice %arg2[%dma_start3A_24, %dma_start3A_25] : memref<2048x2048xf32, #tpu.memory_space<hbm>> -> memref<2048x2048xf32, #tpu.memory_space<hbm>>
    tpu.enqueue_indirect_dma source(%dma_start3A_26 : memref<2048x2048xf32, #tpu.memory_space<hbm>>) target(%arg10 : memref<8x2048xf32, #tpu.memory_space<vmem>>) offsets(%dma_start3A_23 : memref<8xi32, #tpu.memory_space<vmem>>) semaphore(%arg17 : memref<!tpu.dma_semaphore, #tpu.memory_space<semaphore_mem>>)
    %dma_start3A_27 = arith.constant 40 : i32
    %dma_start3A_28 = tpu.memref_slice %arg5[%dma_start3A_27] : memref<256xi32, #tpu.memory_space<vmem>> -> memref<8xi32, #tpu.memory_space<vmem>>
    %dma_start3A_29 = arith.constant 0 : i32
    %dma_start3A_30 = arith.constant 0 : i32
    %dma_start3A_31 = tpu.memref_slice %arg2[%dma_start3A_29, %dma_start3A_30] : memref<2048x2048xf32, #tpu.memory_space<hbm>> -> memref<2048x2048xf32, #tpu.memory_space<hbm>>
    tpu.enqueue_indirect_dma source(%dma_start3A_31 : memref<2048x2048xf32, #tpu.memory_space<hbm>>) target(%arg11 : memref<8x2048xf32, #tpu.memory_space<vmem>>) offsets(%dma_start3A_28 : memref<8xi32, #tpu.memory_space<vmem>>) semaphore(%arg18 : memref<!tpu.dma_semaphore, #tpu.memory_space<semaphore_mem>>)
    %dma_start3A_32 = arith.constant 48 : i32
    %dma_start3A_33 = tpu.memref_slice %arg5[%dma_start3A_32] : memref<256xi32, #tpu.memory_space<vmem>> -> memref<8xi32, #tpu.memory_space<vmem>>
    %dma_start3A_34 = arith.constant 0 : i32
    %dma_start3A_35 = arith.constant 0 : i32
    %dma_start3A_36 = tpu.memref_slice %arg2[%dma_start3A_34, %dma_start3A_35] : memref<2048x2048xf32, #tpu.memory_space<hbm>> -> memref<2048x2048xf32, #tpu.memory_space<hbm>>
    tpu.enqueue_indirect_dma source(%dma_start3A_36 : memref<2048x2048xf32, #tpu.memory_space<hbm>>) target(%arg12 : memref<8x2048xf32, #tpu.memory_space<vmem>>) offsets(%dma_start3A_33 : memref<8xi32, #tpu.memory_space<vmem>>) semaphore(%arg19 : memref<!tpu.dma_semaphore, #tpu.memory_space<semaphore_mem>>)
    %dma_wait3A = arith.constant 0 : i32
    %dma_wait3A_37 = tpu.memref_slice %arg5[%dma_wait3A] : memref<256xi32, #tpu.memory_space<vmem>> -> memref<8xi32, #tpu.memory_space<vmem>>
    %dma_wait3A_38 = arith.constant 0 : i32
    %dma_wait3A_39 = arith.constant 0 : i32
    %dma_wait3A_40 = tpu.memref_slice %arg2[%dma_wait3A_38, %dma_wait3A_39] : memref<2048x2048xf32, #tpu.memory_space<hbm>> -> memref<2048x2048xf32, #tpu.memory_space<hbm>>
    tpu.wait_indirect_dma semaphore(%arg13 : memref<!tpu.dma_semaphore, #tpu.memory_space<semaphore_mem>>) src(%dma_wait3A_40 : memref<2048x2048xf32, #tpu.memory_space<hbm>>) dst(%arg6 : memref<8x2048xf32, #tpu.memory_space<vmem>>)
    %add3A_41 = arith.constant 0 : i32
    %add3A_42 = arith.addi %mul3A_2, %add3A_41 : i32
    %dma_start3A_43 = arith.constant 0 : i32
    %dma_start3A_44 = tpu.memref_slice %arg4[%add3A_42, %dma_start3A_43] : memref<8192x2048xf32, #tpu.memory_space<hbm>> -> memref<8x2048xf32, #tpu.memory_space<hbm>>
    %dma_start3A_45 = arith.constant 0 : i32
    %dma_start3A_46 = tpu.memref_slice %arg4[%add3A_42, %dma_start3A_45] : memref<8192x2048xf32, #tpu.memory_space<hbm>> -> memref<8x2048xf32, #tpu.memory_space<hbm>>
    tpu.enqueue_dma source(%arg6 : memref<8x2048xf32, #tpu.memory_space<vmem>>) target(%dma_start3A_46 : memref<8x2048xf32, #tpu.memory_space<hbm>>) target_semaphore(%arg20 : memref<!tpu.dma_semaphore, #tpu.memory_space<semaphore_mem>>)
    %dma_wait3A_47 = arith.constant 0 : i32
    %dma_wait3A_48 = tpu.memref_slice %arg4[%add3A_42, %dma_wait3A_47] : memref<8192x2048xf32, #tpu.memory_space<hbm>> -> memref<8x2048xf32, #tpu.memory_space<hbm>>
    %dma_wait3A_49 = arith.constant 0 : i32
    %dma_wait3A_50 = tpu.memref_slice %arg4[%add3A_42, %dma_wait3A_49] : memref<8192x2048xf32, #tpu.memory_space<hbm>> -> memref<8x2048xf32, #tpu.memory_space<hbm>>
    tpu.wait_dma2 semaphore(%arg20 : memref<!tpu.dma_semaphore, #tpu.memory_space<semaphore_mem>>) src(%arg6 : memref<8x2048xf32, #tpu.memory_space<vmem>>) dst(%dma_wait3A_50 : memref<8x2048xf32, #tpu.memory_space<hbm>>)
    %dma_start3A_51 = arith.constant 56 : i32
    %dma_start3A_52 = tpu.memref_slice %arg5[%dma_start3A_51] : memref<256xi32, #tpu.memory_space<vmem>> -> memref<8xi32, #tpu.memory_space<vmem>>
    %dma_start3A_53 = arith.constant 0 : i32
    %dma_start3A_54 = arith.constant 0 : i32
    %dma_start3A_55 = tpu.memref_slice %arg2[%dma_start3A_53, %dma_start3A_54] : memref<2048x2048xf32, #tpu.memory_space<hbm>> -> memref<2048x2048xf32, #tpu.memory_space<hbm>>
    tpu.enqueue_indirect_dma source(%dma_start3A_55 : memref<2048x2048xf32, #tpu.memory_space<hbm>>) target(%arg6 : memref<8x2048xf32, #tpu.memory_space<vmem>>) offsets(%dma_start3A_52 : memref<8xi32, #tpu.memory_space<vmem>>) semaphore(%arg13 : memref<!tpu.dma_semaphore, #tpu.memory_space<semaphore_mem>>)
    %dma_wait3A_56 = arith.constant 8 : i32
    %dma_wait3A_57 = tpu.memref_slice %arg5[%dma_wait3A_56] : memref<256xi32, #tpu.memory_space<vmem>> -> memref<8xi32, #tpu.memory_space<vmem>>
    %dma_wait3A_58 = arith.constant 0 : i32
    %dma_wait3A_59 = arith.constant 0 : i32
    %dma_wait3A_60 = tpu.memref_slice %arg2[%dma_wait3A_58, %dma_wait3A_59] : memref<2048x2048xf32, #tpu.memory_space<hbm>> -> memref<2048x2048xf32, #tpu.memory_space<hbm>>
    tpu.wait_indirect_dma semaphore(%arg14 : memref<!tpu.dma_semaphore, #tpu.memory_space<semaphore_mem>>) src(%dma_wait3A_60 : memref<2048x2048xf32, #tpu.memory_space<hbm>>) dst(%arg7 : memref<8x2048xf32, #tpu.memory_space<vmem>>)
    %add3A_61 = arith.constant 8 : i32
    %add3A_62 = arith.addi %mul3A_2, %add3A_61 : i32
    %dma_start3A_63 = arith.constant 0 : i32
    %dma_start3A_64 = tpu.memref_slice %arg4[%add3A_62, %dma_start3A_63] : memref<8192x2048xf32, #tpu.memory_space<hbm>> -> memref<8x2048xf32, #tpu.memory_space<hbm>>
    %dma_start3A_65 = arith.constant 0 : i32
    %dma_start3A_66 = tpu.memref_slice %arg4[%add3A_62, %dma_start3A_65] : memref<8192x2048xf32, #tpu.memory_space<hbm>> -> memref<8x2048xf32, #tpu.memory_space<hbm>>
    tpu.enqueue_dma source(%arg7 : memref<8x2048xf32, #tpu.memory_space<vmem>>) target(%dma_start3A_66 : memref<8x2048xf32, #tpu.memory_space<hbm>>) target_semaphore(%arg21 : memref<!tpu.dma_semaphore, #tpu.memory_space<semaphore_mem>>)
    %dma_wait3A_67 = arith.constant 0 : i32
    %dma_wait3A_68 = tpu.memref_slice %arg4[%add3A_62, %dma_wait3A_67] : memref<8192x2048xf32, #tpu.memory_space<hbm>> -> memref<8x2048xf32, #tpu.memory_space<hbm>>
    %dma_wait3A_69 = arith.constant 0 : i32
    %dma_wait3A_70 = tpu.memref_slice %arg4[%add3A_62, %dma_wait3A_69] : memref<8192x2048xf32, #tpu.memory_space<hbm>> -> memref<8x2048xf32, #tpu.memory_space<hbm>>
    tpu.wait_dma2 semaphore(%arg21 : memref<!tpu.dma_semaphore, #tpu.memory_space<semaphore_mem>>) src(%arg7 : memref<8x2048xf32, #tpu.memory_space<vmem>>) dst(%dma_wait3A_70 : memref<8x2048xf32, #tpu.memory_space<hbm>>)
    %dma_start3A_71 = arith.constant 64 : i32
    %dma_start3A_72 = tpu.memref_slice %arg5[%dma_start3A_71] : memref<256xi32, #tpu.memory_space<vmem>> -> memref<8xi32, #tpu.memory_space<vmem>>
    %dma_start3A_73 = arith.constant 0 : i32
    %dma_start3A_74 = arith.constant 0 : i32
    %dma_start3A_75 = tpu.memref_slice %arg2[%dma_start3A_73, %dma_start3A_74] : memref<2048x2048xf32, #tpu.memory_space<hbm>> -> memref<2048x2048xf32, #tpu.memory_space<hbm>>
    tpu.enqueue_indirect_dma source(%dma_start3A_75 : memref<2048x2048xf32, #tpu.memory_space<hbm>>) target(%arg7 : memref<8x2048xf32, #tpu.memory_space<vmem>>) offsets(%dma_start3A_72 : memref<8xi32, #tpu.memory_space<vmem>>) semaphore(%arg14 : memref<!tpu.dma_semaphore, #tpu.memory_space<semaphore_mem>>)
    %dma_wait3A_76 = arith.constant 16 : i32
    %dma_wait3A_77 = tpu.memref_slice %arg5[%dma_wait3A_76] : memref<256xi32, #tpu.memory_space<vmem>> -> memref<8xi32, #tpu.memory_space<vmem>>
    %dma_wait3A_78 = arith.constant 0 : i32
    %dma_wait3A_79 = arith.constant 0 : i32
    %dma_wait3A_80 = tpu.memref_slice %arg2[%dma_wait3A_78, %dma_wait3A_79] : memref<2048x2048xf32, #tpu.memory_space<hbm>> -> memref<2048x2048xf32, #tpu.memory_space<hbm>>
    tpu.wait_indirect_dma semaphore(%arg15 : memref<!tpu.dma_semaphore, #tpu.memory_space<semaphore_mem>>) src(%dma_wait3A_80 : memref<2048x2048xf32, #tpu.memory_space<hbm>>) dst(%arg8 : memref<8x2048xf32, #tpu.memory_space<vmem>>)
    %add3A_81 = arith.constant 16 : i32
    %add3A_82 = arith.addi %mul3A_2, %add3A_81 : i32
    %dma_start3A_83 = arith.constant 0 : i32
    %dma_start3A_84 = tpu.memref_slice %arg4[%add3A_82, %dma_start3A_83] : memref<8192x2048xf32, #tpu.memory_space<hbm>> -> memref<8x2048xf32, #tpu.memory_space<hbm>>
    %dma_start3A_85 = arith.constant 0 : i32
    %dma_start3A_86 = tpu.memref_slice %arg4[%add3A_82, %dma_start3A_85] : memref<8192x2048xf32, #tpu.memory_space<hbm>> -> memref<8x2048xf32, #tpu.memory_space<hbm>>
    tpu.enqueue_dma source(%arg8 : memref<8x2048xf32, #tpu.memory_space<vmem>>) target(%dma_start3A_86 : memref<8x2048xf32, #tpu.memory_space<hbm>>) target_semaphore(%arg22 : memref<!tpu.dma_semaphore, #tpu.memory_space<semaphore_mem>>)
    %dma_wait3A_87 = arith.constant 0 : i32
    %dma_wait3A_88 = tpu.memref_slice %arg4[%add3A_82, %dma_wait3A_87] : memref<8192x2048xf32, #tpu.memory_space<hbm>> -> memref<8x2048xf32, #tpu.memory_space<hbm>>
    %dma_wait3A_89 = arith.constant 0 : i32
    %dma_wait3A_90 = tpu.memref_slice %arg4[%add3A_82, %dma_wait3A_89] : memref<8192x2048xf32, #tpu.memory_space<hbm>> -> memref<8x2048xf32, #tpu.memory_space<hbm>>
    tpu.wait_dma2 semaphore(%arg22 : memref<!tpu.dma_semaphore, #tpu.memory_space<semaphore_mem>>) src(%arg8 : memref<8x2048xf32, #tpu.memory_space<vmem>>) dst(%dma_wait3A_90 : memref<8x2048xf32, #tpu.memory_space<hbm>>)
    %dma_start3A_91 = arith.constant 72 : i32
    %dma_start3A_92 = tpu.memref_slice %arg5[%dma_start3A_91] : memref<256xi32, #tpu.memory_space<vmem>> -> memref<8xi32, #tpu.memory_space<vmem>>
    %dma_start3A_93 = arith.constant 0 : i32
    %dma_start3A_94 = arith.constant 0 : i32
    %dma_start3A_95 = tpu.memref_slice %arg2[%dma_start3A_93, %dma_start3A_94] : memref<2048x2048xf32, #tpu.memory_space<hbm>> -> memref<2048x2048xf32, #tpu.memory_space<hbm>>
    tpu.enqueue_indirect_dma source(%dma_start3A_95 : memref<2048x2048xf32, #tpu.memory_space<hbm>>) target(%arg8 : memref<8x2048xf32, #tpu.memory_space<vmem>>) offsets(%dma_start3A_92 : memref<8xi32, #tpu.memory_space<vmem>>) semaphore(%arg15 : memref<!tpu.dma_semaphore, #tpu.memory_space<semaphore_mem>>)
    %dma_wait3A_96 = arith.constant 24 : i32
    %dma_wait3A_97 = tpu.memref_slice %arg5[%dma_wait3A_96] : memref<256xi32, #tpu.memory_space<vmem>> -> memref<8xi32, #tpu.memory_space<vmem>>
    %dma_wait3A_98 = arith.constant 0 : i32
    %dma_wait3A_99 = arith.constant 0 : i32
    %dma_wait3A_100 = tpu.memref_slice %arg2[%dma_wait3A_98, %dma_wait3A_99] : memref<2048x2048xf32, #tpu.memory_space<hbm>> -> memref<2048x2048xf32, #tpu.memory_space<hbm>>
    tpu.wait_indirect_dma semaphore(%arg16 : memref<!tpu.dma_semaphore, #tpu.memory_space<semaphore_mem>>) src(%dma_wait3A_100 : memref<2048x2048xf32, #tpu.memory_space<hbm>>) dst(%arg9 : memref<8x2048xf32, #tpu.memory_space<vmem>>)
    %add3A_101 = arith.constant 24 : i32
    %add3A_102 = arith.addi %mul3A_2, %add3A_101 : i32
    %dma_start3A_103 = arith.constant 0 : i32
    %dma_start3A_104 = tpu.memref_slice %arg4[%add3A_102, %dma_start3A_103] : memref<8192x2048xf32, #tpu.memory_space<hbm>> -> memref<8x2048xf32, #tpu.memory_space<hbm>>
    %dma_start3A_105 = arith.constant 0 : i32
    %dma_start3A_106 = tpu.memref_slice %arg4[%add3A_102, %dma_start3A_105] : memref<8192x2048xf32, #tpu.memory_space<hbm>> -> memref<8x2048xf32, #tpu.memory_space<hbm>>
    tpu.enqueue_dma source(%arg9 : memref<8x2048xf32, #tpu.memory_space<vmem>>) target(%dma_start3A_106 : memref<8x2048xf32, #tpu.memory_space<hbm>>) target_semaphore(%arg23 : memref<!tpu.dma_semaphore, #tpu.memory_space<semaphore_mem>>)
    %dma_wait3A_107 = arith.constant 0 : i32
    %dma_wait3A_108 = tpu.memref_slice %arg4[%add3A_102, %dma_wait3A_107] : memref<8192x2048xf32, #tpu.memory_space<hbm>> -> memref<8x2048xf32, #tpu.memory_space<hbm>>
    %dma_wait3A_109 = arith.constant 0 : i32
    %dma_wait3A_110 = tpu.memref_slice %arg4[%add3A_102, %dma_wait3A_109] : memref<8192x2048xf32, #tpu.memory_space<hbm>> -> memref<8x2048xf32, #tpu.memory_space<hbm>>
    tpu.wait_dma2 semaphore(%arg23 : memref<!tpu.dma_semaphore, #tpu.memory_space<semaphore_mem>>) src(%arg9 : memref<8x2048xf32, #tpu.memory_space<vmem>>) dst(%dma_wait3A_110 : memref<8x2048xf32, #tpu.memory_space<hbm>>)
    %dma_start3A_111 = arith.constant 80 : i32
    %dma_start3A_112 = tpu.memref_slice %arg5[%dma_start3A_111] : memref<256xi32, #tpu.memory_space<vmem>> -> memref<8xi32, #tpu.memory_space<vmem>>
    %dma_start3A_113 = arith.constant 0 : i32
    %dma_start3A_114 = arith.constant 0 : i32
    %dma_start3A_115 = tpu.memref_slice %arg2[%dma_start3A_113, %dma_start3A_114] : memref<2048x2048xf32, #tpu.memory_space<hbm>> -> memref<2048x2048xf32, #tpu.memory_space<hbm>>
    tpu.enqueue_indirect_dma source(%dma_start3A_115 : memref<2048x2048xf32, #tpu.memory_space<hbm>>) target(%arg9 : memref<8x2048xf32, #tpu.memory_space<vmem>>) offsets(%dma_start3A_112 : memref<8xi32, #tpu.memory_space<vmem>>) semaphore(%arg16 : memref<!tpu.dma_semaphore, #tpu.memory_space<semaphore_mem>>)
    %dma_wait3A_116 = arith.constant 32 : i32
    %dma_wait3A_117 = tpu.memref_slice %arg5[%dma_wait3A_116] : memref<256xi32, #tpu.memory_space<vmem>> -> memref<8xi32, #tpu.memory_space<vmem>>
    %dma_wait3A_118 = arith.constant 0 : i32
    %dma_wait3A_119 = arith.constant 0 : i32
    %dma_wait3A_120 = tpu.memref_slice %arg2[%dma_wait3A_118, %dma_wait3A_119] : memref<2048x2048xf32, #tpu.memory_space<hbm>> -> memref<2048x2048xf32, #tpu.memory_space<hbm>>
    tpu.wait_indirect_dma semaphore(%arg17 : memref<!tpu.dma_semaphore, #tpu.memory_space<semaphore_mem>>) src(%dma_wait3A_120 : memref<2048x2048xf32, #tpu.memory_space<hbm>>) dst(%arg10 : memref<8x2048xf32, #tpu.memory_space<vmem>>)
    %add3A_121 = arith.constant 32 : i32
    %add3A_122 = arith.addi %mul3A_2, %add3A_121 : i32
    %dma_start3A_123 = arith.constant 0 : i32
    %dma_start3A_124 = tpu.memref_slice %arg4[%add3A_122, %dma_start3A_123] : memref<8192x2048xf32, #tpu.memory_space<hbm>> -> memref<8x2048xf32, #tpu.memory_space<hbm>>
    %dma_start3A_125 = arith.constant 0 : i32
    %dma_start3A_126 = tpu.memref_slice %arg4[%add3A_122, %dma_start3A_125] : memref<8192x2048xf32, #tpu.memory_space<hbm>> -> memref<8x2048xf32, #tpu.memory_space<hbm>>
    tpu.enqueue_dma source(%arg10 : memref<8x2048xf32, #tpu.memory_space<vmem>>) target(%dma_start3A_126 : memref<8x2048xf32, #tpu.memory_space<hbm>>) target_semaphore(%arg24 : memref<!tpu.dma_semaphore, #tpu.memory_space<semaphore_mem>>)
    %dma_wait3A_127 = arith.constant 0 : i32
    %dma_wait3A_128 = tpu.memref_slice %arg4[%add3A_122, %dma_wait3A_127] : memref<8192x2048xf32, #tpu.memory_space<hbm>> -> memref<8x2048xf32, #tpu.memory_space<hbm>>
    %dma_wait3A_129 = arith.constant 0 : i32
    %dma_wait3A_130 = tpu.memref_slice %arg4[%add3A_122, %dma_wait3A_129] : memref<8192x2048xf32, #tpu.memory_space<hbm>> -> memref<8x2048xf32, #tpu.memory_space<hbm>>
    tpu.wait_dma2 semaphore(%arg24 : memref<!tpu.dma_semaphore, #tpu.memory_space<semaphore_mem>>) src(%arg10 : memref<8x2048xf32, #tpu.memory_space<vmem>>) dst(%dma_wait3A_130 : memref<8x2048xf32, #tpu.memory_space<hbm>>)
    %dma_start3A_131 = arith.constant 88 : i32
    %dma_start3A_132 = tpu.memref_slice %arg5[%dma_start3A_131] : memref<256xi32, #tpu.memory_space<vmem>> -> memref<8xi32, #tpu.memory_space<vmem>>
    %dma_start3A_133 = arith.constant 0 : i32
    %dma_start3A_134 = arith.constant 0 : i32
    %dma_start3A_135 = tpu.memref_slice %arg2[%dma_start3A_133, %dma_start3A_134] : memref<2048x2048xf32, #tpu.memory_space<hbm>> -> memref<2048x2048xf32, #tpu.memory_space<hbm>>
    tpu.enqueue_indirect_dma source(%dma_start3A_135 : memref<2048x2048xf32, #tpu.memory_space<hbm>>) target(%arg10 : memref<8x2048xf32, #tpu.memory_space<vmem>>) offsets(%dma_start3A_132 : memref<8xi32, #tpu.memory_space<vmem>>) semaphore(%arg17 : memref<!tpu.dma_semaphore, #tpu.memory_space<semaphore_mem>>)
    %dma_wait3A_136 = arith.constant 40 : i32
    %dma_wait3A_137 = tpu.memref_slice %arg5[%dma_wait3A_136] : memref<256xi32, #tpu.memory_space<vmem>> -> memref<8xi32, #tpu.memory_space<vmem>>
    %dma_wait3A_138 = arith.constant 0 : i32
    %dma_wait3A_139 = arith.constant 0 : i32
    %dma_wait3A_140 = tpu.memref_slice %arg2[%dma_wait3A_138, %dma_wait3A_139] : memref<2048x2048xf32, #tpu.memory_space<hbm>> -> memref<2048x2048xf32, #tpu.memory_space<hbm>>
    tpu.wait_indirect_dma semaphore(%arg18 : memref<!tpu.dma_semaphore, #tpu.memory_space<semaphore_mem>>) src(%dma_wait3A_140 : memref<2048x2048xf32, #tpu.memory_space<hbm>>) dst(%arg11 : memref<8x2048xf32, #tpu.memory_space<vmem>>)
    %add3A_141 = arith.constant 40 : i32
    %add3A_142 = arith.addi %mul3A_2, %add3A_141 : i32
    %dma_start3A_143 = arith.constant 0 : i32
    %dma_start3A_144 = tpu.memref_slice %arg4[%add3A_142, %dma_start3A_143] : memref<8192x2048xf32, #tpu.memory_space<hbm>> -> memref<8x2048xf32, #tpu.memory_space<hbm>>
    %dma_start3A_145 = arith.constant 0 : i32
    %dma_start3A_146 = tpu.memref_slice %arg4[%add3A_142, %dma_start3A_145] : memref<8192x2048xf32, #tpu.memory_space<hbm>> -> memref<8x2048xf32, #tpu.memory_space<hbm>>
    tpu.enqueue_dma source(%arg11 : memref<8x2048xf32, #tpu.memory_space<vmem>>) target(%dma_start3A_146 : memref<8x2048xf32, #tpu.memory_space<hbm>>) target_semaphore(%arg25 : memref<!tpu.dma_semaphore, #tpu.memory_space<semaphore_mem>>)
    %dma_wait3A_147 = arith.constant 0 : i32
    %dma_wait3A_148 = tpu.memref_slice %arg4[%add3A_142, %dma_wait3A_147] : memref<8192x2048xf32, #tpu.memory_space<hbm>> -> memref<8x2048xf32, #tpu.memory_space<hbm>>
    %dma_wait3A_149 = arith.constant 0 : i32
    %dma_wait3A_150 = tpu.memref_slice %arg4[%add3A_142, %dma_wait3A_149] : memref<8192x2048xf32, #tpu.memory_space<hbm>> -> memref<8x2048xf32, #tpu.memory_space<hbm>>
    tpu.wait_dma2 semaphore(%arg25 : memref<!tpu.dma_semaphore, #tpu.memory_space<semaphore_mem>>) src(%arg11 : memref<8x2048xf32, #tpu.memory_space<vmem>>) dst(%dma_wait3A_150 : memref<8x2048xf32, #tpu.memory_space<hbm>>)
    %dma_start3A_151 = arith.constant 96 : i32
    %dma_start3A_152 = tpu.memref_slice %arg5[%dma_start3A_151] : memref<256xi32, #tpu.memory_space<vmem>> -> memref<8xi32, #tpu.memory_space<vmem>>
    %dma_start3A_153 = arith.constant 0 : i32
    %dma_start3A_154 = arith.constant 0 : i32
    %dma_start3A_155 = tpu.memref_slice %arg2[%dma_start3A_153, %dma_start3A_154] : memref<2048x2048xf32, #tpu.memory_space<hbm>> -> memref<2048x2048xf32, #tpu.memory_space<hbm>>
    tpu.enqueue_indirect_dma source(%dma_start3A_155 : memref<2048x2048xf32, #tpu.memory_space<hbm>>) target(%arg11 : memref<8x2048xf32, #tpu.memory_space<vmem>>) offsets(%dma_start3A_152 : memref<8xi32, #tpu.memory_space<vmem>>) semaphore(%arg18 : memref<!tpu.dma_semaphore, #tpu.memory_space<semaphore_mem>>)
    %dma_wait3A_156 = arith.constant 48 : i32
    %dma_wait3A_157 = tpu.memref_slice %arg5[%dma_wait3A_156] : memref<256xi32, #tpu.memory_space<vmem>> -> memref<8xi32, #tpu.memory_space<vmem>>
    %dma_wait3A_158 = arith.constant 0 : i32
    %dma_wait3A_159 = arith.constant 0 : i32
    %dma_wait3A_160 = tpu.memref_slice %arg2[%dma_wait3A_158, %dma_wait3A_159] : memref<2048x2048xf32, #tpu.memory_space<hbm>> -> memref<2048x2048xf32, #tpu.memory_space<hbm>>
    tpu.wait_indirect_dma semaphore(%arg19 : memref<!tpu.dma_semaphore, #tpu.memory_space<semaphore_mem>>) src(%dma_wait3A_160 : memref<2048x2048xf32, #tpu.memory_space<hbm>>) dst(%arg12 : memref<8x2048xf32, #tpu.memory_space<vmem>>)
    %add3A_161 = arith.constant 48 : i32
    %add3A_162 = arith.addi %mul3A_2, %add3A_161 : i32
    %dma_start3A_163 = arith.constant 0 : i32
    %dma_start3A_164 = tpu.memref_slice %arg4[%add3A_162, %dma_start3A_163] : memref<8192x2048xf32, #tpu.memory_space<hbm>> -> memref<8x2048xf32, #tpu.memory_space<hbm>>
    %dma_start3A_165 = arith.constant 0 : i32
    %dma_start3A_166 = tpu.memref_slice %arg4[%add3A_162, %dma_start3A_165] : memref<8192x2048xf32, #tpu.memory_space<hbm>> -> memref<8x2048xf32, #tpu.memory_space<hbm>>
    tpu.enqueue_dma source(%arg12 : memref<8x2048xf32, #tpu.memory_space<vmem>>) target(%dma_start3A_166 : memref<8x2048xf32, #tpu.memory_space<hbm>>) target_semaphore(%arg26 : memref<!tpu.dma_semaphore, #tpu.memory_space<semaphore_mem>>)
    %dma_wait3A_167 = arith.constant 0 : i32
    %dma_wait3A_168 = tpu.memref_slice %arg4[%add3A_162, %dma_wait3A_167] : memref<8192x2048xf32, #tpu.memory_space<hbm>> -> memref<8x2048xf32, #tpu.memory_space<hbm>>
    %dma_wait3A_169 = arith.constant 0 : i32
    %dma_wait3A_170 = tpu.memref_slice %arg4[%add3A_162, %dma_wait3A_169] : memref<8192x2048xf32, #tpu.memory_space<hbm>> -> memref<8x2048xf32, #tpu.memory_space<hbm>>
    tpu.wait_dma2 semaphore(%arg26 : memref<!tpu.dma_semaphore, #tpu.memory_space<semaphore_mem>>) src(%arg12 : memref<8x2048xf32, #tpu.memory_space<vmem>>) dst(%dma_wait3A_170 : memref<8x2048xf32, #tpu.memory_space<hbm>>)
    %dma_start3A_171 = arith.constant 104 : i32
    %dma_start3A_172 = tpu.memref_slice %arg5[%dma_start3A_171] : memref<256xi32, #tpu.memory_space<vmem>> -> memref<8xi32, #tpu.memory_space<vmem>>
    %dma_start3A_173 = arith.constant 0 : i32
    %dma_start3A_174 = arith.constant 0 : i32
    %dma_start3A_175 = tpu.memref_slice %arg2[%dma_start3A_173, %dma_start3A_174] : memref<2048x2048xf32, #tpu.memory_space<hbm>> -> memref<2048x2048xf32, #tpu.memory_space<hbm>>
    tpu.enqueue_indirect_dma source(%dma_start3A_175 : memref<2048x2048xf32, #tpu.memory_space<hbm>>) target(%arg12 : memref<8x2048xf32, #tpu.memory_space<vmem>>) offsets(%dma_start3A_172 : memref<8xi32, #tpu.memory_space<vmem>>) semaphore(%arg19 : memref<!tpu.dma_semaphore, #tpu.memory_space<semaphore_mem>>)
    %dma_wait3A_176 = arith.constant 56 : i32
    %dma_wait3A_177 = tpu.memref_slice %arg5[%dma_wait3A_176] : memref<256xi32, #tpu.memory_space<vmem>> -> memref<8xi32, #tpu.memory_space<vmem>>
    %dma_wait3A_178 = arith.constant 0 : i32
    %dma_wait3A_179 = arith.constant 0 : i32
    %dma_wait3A_180 = tpu.memref_slice %arg2[%dma_wait3A_178, %dma_wait3A_179] : memref<2048x2048xf32, #tpu.memory_space<hbm>> -> memref<2048x2048xf32, #tpu.memory_space<hbm>>
    tpu.wait_indirect_dma semaphore(%arg13 : memref<!tpu.dma_semaphore, #tpu.memory_space<semaphore_mem>>) src(%dma_wait3A_180 : memref<2048x2048xf32, #tpu.memory_space<hbm>>) dst(%arg6 : memref<8x2048xf32, #tpu.memory_space<vmem>>)
    %add3A_181 = arith.constant 56 : i32
    %add3A_182 = arith.addi %mul3A_2, %add3A_181 : i32
    %dma_start3A_183 = arith.constant 0 : i32
    %dma_start3A_184 = tpu.memref_slice %arg4[%add3A_182, %dma_start3A_183] : memref<8192x2048xf32, #tpu.memory_space<hbm>> -> memref<8x2048xf32, #tpu.memory_space<hbm>>
    %dma_start3A_185 = arith.constant 0 : i32
    %dma_start3A_186 = tpu.memref_slice %arg4[%add3A_182, %dma_start3A_185] : memref<8192x2048xf32, #tpu.memory_space<hbm>> -> memref<8x2048xf32, #tpu.memory_space<hbm>>
    tpu.enqueue_dma source(%arg6 : memref<8x2048xf32, #tpu.memory_space<vmem>>) target(%dma_start3A_186 : memref<8x2048xf32, #tpu.memory_space<hbm>>) target_semaphore(%arg20 : memref<!tpu.dma_semaphore, #tpu.memory_space<semaphore_mem>>)
    %dma_wait3A_187 = arith.constant 0 : i32
    %dma_wait3A_188 = tpu.memref_slice %arg4[%add3A_182, %dma_wait3A_187] : memref<8192x2048xf32, #tpu.memory_space<hbm>> -> memref<8x2048xf32, #tpu.memory_space<hbm>>
    %dma_wait3A_189 = arith.constant 0 : i32
    %dma_wait3A_190 = tpu.memref_slice %arg4[%add3A_182, %dma_wait3A_189] : memref<8192x2048xf32, #tpu.memory_space<hbm>> -> memref<8x2048xf32, #tpu.memory_space<hbm>>
    tpu.wait_dma2 semaphore(%arg20 : memref<!tpu.dma_semaphore, #tpu.memory_space<semaphore_mem>>) src(%arg6 : memref<8x2048xf32, #tpu.memory_space<vmem>>) dst(%dma_wait3A_190 : memref<8x2048xf32, #tpu.memory_space<hbm>>)
    %dma_start3A_191 = arith.constant 112 : i32
    %dma_start3A_192 = tpu.memref_slice %arg5[%dma_start3A_191] : memref<256xi32, #tpu.memory_space<vmem>> -> memref<8xi32, #tpu.memory_space<vmem>>
    %dma_start3A_193 = arith.constant 0 : i32
    %dma_start3A_194 = arith.constant 0 : i32
    %dma_start3A_195 = tpu.memref_slice %arg2[%dma_start3A_193, %dma_start3A_194] : memref<2048x2048xf32, #tpu.memory_space<hbm>> -> memref<2048x2048xf32, #tpu.memory_space<hbm>>
    tpu.enqueue_indirect_dma source(%dma_start3A_195 : memref<2048x2048xf32, #tpu.memory_space<hbm>>) target(%arg6 : memref<8x2048xf32, #tpu.memory_space<vmem>>) offsets(%dma_start3A_192 : memref<8xi32, #tpu.memory_space<vmem>>) semaphore(%arg13 : memref<!tpu.dma_semaphore, #tpu.memory_space<semaphore_mem>>)
    %dma_wait3A_196 = arith.constant 64 : i32
    %dma_wait3A_197 = tpu.memref_slice %arg5[%dma_wait3A_196] : memref<256xi32, #tpu.memory_space<vmem>> -> memref<8xi32, #tpu.memory_space<vmem>>
    %dma_wait3A_198 = arith.constant 0 : i32
    %dma_wait3A_199 = arith.constant 0 : i32
    %dma_wait3A_200 = tpu.memref_slice %arg2[%dma_wait3A_198, %dma_wait3A_199] : memref<2048x2048xf32, #tpu.memory_space<hbm>> -> memref<2048x2048xf32, #tpu.memory_space<hbm>>
    tpu.wait_indirect_dma semaphore(%arg14 : memref<!tpu.dma_semaphore, #tpu.memory_space<semaphore_mem>>) src(%dma_wait3A_200 : memref<2048x2048xf32, #tpu.memory_space<hbm>>) dst(%arg7 : memref<8x2048xf32, #tpu.memory_space<vmem>>)
    %add3A_201 = arith.constant 64 : i32
    %add3A_202 = arith.addi %mul3A_2, %add3A_201 : i32
    %dma_start3A_203 = arith.constant 0 : i32
    %dma_start3A_204 = tpu.memref_slice %arg4[%add3A_202, %dma_start3A_203] : memref<8192x2048xf32, #tpu.memory_space<hbm>> -> memref<8x2048xf32, #tpu.memory_space<hbm>>
    %dma_start3A_205 = arith.constant 0 : i32
    %dma_start3A_206 = tpu.memref_slice %arg4[%add3A_202, %dma_start3A_205] : memref<8192x2048xf32, #tpu.memory_space<hbm>> -> memref<8x2048xf32, #tpu.memory_space<hbm>>
    tpu.enqueue_dma source(%arg7 : memref<8x2048xf32, #tpu.memory_space<vmem>>) target(%dma_start3A_206 : memref<8x2048xf32, #tpu.memory_space<hbm>>) target_semaphore(%arg21 : memref<!tpu.dma_semaphore, #tpu.memory_space<semaphore_mem>>)
    %dma_wait3A_207 = arith.constant 0 : i32
    %dma_wait3A_208 = tpu.memref_slice %arg4[%add3A_202, %dma_wait3A_207] : memref<8192x2048xf32, #tpu.memory_space<hbm>> -> memref<8x2048xf32, #tpu.memory_space<hbm>>
    %dma_wait3A_209 = arith.constant 0 : i32
    %dma_wait3A_210 = tpu.memref_slice %arg4[%add3A_202, %dma_wait3A_209] : memref<8192x2048xf32, #tpu.memory_space<hbm>> -> memref<8x2048xf32, #tpu.memory_space<hbm>>
    tpu.wait_dma2 semaphore(%arg21 : memref<!tpu.dma_semaphore, #tpu.memory_space<semaphore_mem>>) src(%arg7 : memref<8x2048xf32, #tpu.memory_space<vmem>>) dst(%dma_wait3A_210 : memref<8x2048xf32, #tpu.memory_space<hbm>>)
    %dma_start3A_211 = arith.constant 120 : i32
    %dma_start3A_212 = tpu.memref_slice %arg5[%dma_start3A_211] : memref<256xi32, #tpu.memory_space<vmem>> -> memref<8xi32, #tpu.memory_space<vmem>>
    %dma_start3A_213 = arith.constant 0 : i32
    %dma_start3A_214 = arith.constant 0 : i32
    %dma_start3A_215 = tpu.memref_slice %arg2[%dma_start3A_213, %dma_start3A_214] : memref<2048x2048xf32, #tpu.memory_space<hbm>> -> memref<2048x2048xf32, #tpu.memory_space<hbm>>
    tpu.enqueue_indirect_dma source(%dma_start3A_215 : memref<2048x2048xf32, #tpu.memory_space<hbm>>) target(%arg7 : memref<8x2048xf32, #tpu.memory_space<vmem>>) offsets(%dma_start3A_212 : memref<8xi32, #tpu.memory_space<vmem>>) semaphore(%arg14 : memref<!tpu.dma_semaphore, #tpu.memory_space<semaphore_mem>>)
    %dma_wait3A_216 = arith.constant 72 : i32
    %dma_wait3A_217 = tpu.memref_slice %arg5[%dma_wait3A_216] : memref<256xi32, #tpu.memory_space<vmem>> -> memref<8xi32, #tpu.memory_space<vmem>>
    %dma_wait3A_218 = arith.constant 0 : i32
    %dma_wait3A_219 = arith.constant 0 : i32
    %dma_wait3A_220 = tpu.memref_slice %arg2[%dma_wait3A_218, %dma_wait3A_219] : memref<2048x2048xf32, #tpu.memory_space<hbm>> -> memref<2048x2048xf32, #tpu.memory_space<hbm>>
    tpu.wait_indirect_dma semaphore(%arg15 : memref<!tpu.dma_semaphore, #tpu.memory_space<semaphore_mem>>) src(%dma_wait3A_220 : memref<2048x2048xf32, #tpu.memory_space<hbm>>) dst(%arg8 : memref<8x2048xf32, #tpu.memory_space<vmem>>)
    %add3A_221 = arith.constant 72 : i32
    %add3A_222 = arith.addi %mul3A_2, %add3A_221 : i32
    %dma_start3A_223 = arith.constant 0 : i32
    %dma_start3A_224 = tpu.memref_slice %arg4[%add3A_222, %dma_start3A_223] : memref<8192x2048xf32, #tpu.memory_space<hbm>> -> memref<8x2048xf32, #tpu.memory_space<hbm>>
    %dma_start3A_225 = arith.constant 0 : i32
    %dma_start3A_226 = tpu.memref_slice %arg4[%add3A_222, %dma_start3A_225] : memref<8192x2048xf32, #tpu.memory_space<hbm>> -> memref<8x2048xf32, #tpu.memory_space<hbm>>
    tpu.enqueue_dma source(%arg8 : memref<8x2048xf32, #tpu.memory_space<vmem>>) target(%dma_start3A_226 : memref<8x2048xf32, #tpu.memory_space<hbm>>) target_semaphore(%arg22 : memref<!tpu.dma_semaphore, #tpu.memory_space<semaphore_mem>>)
    %dma_wait3A_227 = arith.constant 0 : i32
    %dma_wait3A_228 = tpu.memref_slice %arg4[%add3A_222, %dma_wait3A_227] : memref<8192x2048xf32, #tpu.memory_space<hbm>> -> memref<8x2048xf32, #tpu.memory_space<hbm>>
    %dma_wait3A_229 = arith.constant 0 : i32
    %dma_wait3A_230 = tpu.memref_slice %arg4[%add3A_222, %dma_wait3A_229] : memref<8192x2048xf32, #tpu.memory_space<hbm>> -> memref<8x2048xf32, #tpu.memory_space<hbm>>
    tpu.wait_dma2 semaphore(%arg22 : memref<!tpu.dma_semaphore, #tpu.memory_space<semaphore_mem>>) src(%arg8 : memref<8x2048xf32, #tpu.memory_space<vmem>>) dst(%dma_wait3A_230 : memref<8x2048xf32, #tpu.memory_space<hbm>>)
    %dma_start3A_231 = arith.constant 128 : i32
    %dma_start3A_232 = tpu.memref_slice %arg5[%dma_start3A_231] : memref<256xi32, #tpu.memory_space<vmem>> -> memref<8xi32, #tpu.memory_space<vmem>>
    %dma_start3A_233 = arith.constant 0 : i32
    %dma_start3A_234 = arith.constant 0 : i32
    %dma_start3A_235 = tpu.memref_slice %arg2[%dma_start3A_233, %dma_start3A_234] : memref<2048x2048xf32, #tpu.memory_space<hbm>> -> memref<2048x2048xf32, #tpu.memory_space<hbm>>
    tpu.enqueue_indirect_dma source(%dma_start3A_235 : memref<2048x2048xf32, #tpu.memory_space<hbm>>) target(%arg8 : memref<8x2048xf32, #tpu.memory_space<vmem>>) offsets(%dma_start3A_232 : memref<8xi32, #tpu.memory_space<vmem>>) semaphore(%arg15 : memref<!tpu.dma_semaphore, #tpu.memory_space<semaphore_mem>>)
    %dma_wait3A_236 = arith.constant 80 : i32
    %dma_wait3A_237 = tpu.memref_slice %arg5[%dma_wait3A_236] : memref<256xi32, #tpu.memory_space<vmem>> -> memref<8xi32, #tpu.memory_space<vmem>>
    %dma_wait3A_238 = arith.constant 0 : i32
    %dma_wait3A_239 = arith.constant 0 : i32
    %dma_wait3A_240 = tpu.memref_slice %arg2[%dma_wait3A_238, %dma_wait3A_239] : memref<2048x2048xf32, #tpu.memory_space<hbm>> -> memref<2048x2048xf32, #tpu.memory_space<hbm>>
    tpu.wait_indirect_dma semaphore(%arg16 : memref<!tpu.dma_semaphore, #tpu.memory_space<semaphore_mem>>) src(%dma_wait3A_240 : memref<2048x2048xf32, #tpu.memory_space<hbm>>) dst(%arg9 : memref<8x2048xf32, #tpu.memory_space<vmem>>)
    %add3A_241 = arith.constant 80 : i32
    %add3A_242 = arith.addi %mul3A_2, %add3A_241 : i32
    %dma_start3A_243 = arith.constant 0 : i32
    %dma_start3A_244 = tpu.memref_slice %arg4[%add3A_242, %dma_start3A_243] : memref<8192x2048xf32, #tpu.memory_space<hbm>> -> memref<8x2048xf32, #tpu.memory_space<hbm>>
    %dma_start3A_245 = arith.constant 0 : i32
    %dma_start3A_246 = tpu.memref_slice %arg4[%add3A_242, %dma_start3A_245] : memref<8192x2048xf32, #tpu.memory_space<hbm>> -> memref<8x2048xf32, #tpu.memory_space<hbm>>
    tpu.enqueue_dma source(%arg9 : memref<8x2048xf32, #tpu.memory_space<vmem>>) target(%dma_start3A_246 : memref<8x2048xf32, #tpu.memory_space<hbm>>) target_semaphore(%arg23 : memref<!tpu.dma_semaphore, #tpu.memory_space<semaphore_mem>>)
    %dma_wait3A_247 = arith.constant 0 : i32
    %dma_wait3A_248 = tpu.memref_slice %arg4[%add3A_242, %dma_wait3A_247] : memref<8192x2048xf32, #tpu.memory_space<hbm>> -> memref<8x2048xf32, #tpu.memory_space<hbm>>
    %dma_wait3A_249 = arith.constant 0 : i32
    %dma_wait3A_250 = tpu.memref_slice %arg4[%add3A_242, %dma_wait3A_249] : memref<8192x2048xf32, #tpu.memory_space<hbm>> -> memref<8x2048xf32, #tpu.memory_space<hbm>>
    tpu.wait_dma2 semaphore(%arg23 : memref<!tpu.dma_semaphore, #tpu.memory_space<semaphore_mem>>) src(%arg9 : memref<8x2048xf32, #tpu.memory_space<vmem>>) dst(%dma_wait3A_250 : memref<8x2048xf32, #tpu.memory_space<hbm>>)
    %dma_start3A_251 = arith.constant 136 : i32
    %dma_start3A_252 = tpu.memref_slice %arg5[%dma_start3A_251] : memref<256xi32, #tpu.memory_space<vmem>> -> memref<8xi32, #tpu.memory_space<vmem>>
    %dma_start3A_253 = arith.constant 0 : i32
    %dma_start3A_254 = arith.constant 0 : i32
    %dma_start3A_255 = tpu.memref_slice %arg2[%dma_start3A_253, %dma_start3A_254] : memref<2048x2048xf32, #tpu.memory_space<hbm>> -> memref<2048x2048xf32, #tpu.memory_space<hbm>>
    tpu.enqueue_indirect_dma source(%dma_start3A_255 : memref<2048x2048xf32, #tpu.memory_space<hbm>>) target(%arg9 : memref<8x2048xf32, #tpu.memory_space<vmem>>) offsets(%dma_start3A_252 : memref<8xi32, #tpu.memory_space<vmem>>) semaphore(%arg16 : memref<!tpu.dma_semaphore, #tpu.memory_space<semaphore_mem>>)
    %dma_wait3A_256 = arith.constant 88 : i32
    %dma_wait3A_257 = tpu.memref_slice %arg5[%dma_wait3A_256] : memref<256xi32, #tpu.memory_space<vmem>> -> memref<8xi32, #tpu.memory_space<vmem>>
    %dma_wait3A_258 = arith.constant 0 : i32
    %dma_wait3A_259 = arith.constant 0 : i32
    %dma_wait3A_260 = tpu.memref_slice %arg2[%dma_wait3A_258, %dma_wait3A_259] : memref<2048x2048xf32, #tpu.memory_space<hbm>> -> memref<2048x2048xf32, #tpu.memory_space<hbm>>
    tpu.wait_indirect_dma semaphore(%arg17 : memref<!tpu.dma_semaphore, #tpu.memory_space<semaphore_mem>>) src(%dma_wait3A_260 : memref<2048x2048xf32, #tpu.memory_space<hbm>>) dst(%arg10 : memref<8x2048xf32, #tpu.memory_space<vmem>>)
    %add3A_261 = arith.constant 88 : i32
    %add3A_262 = arith.addi %mul3A_2, %add3A_261 : i32
    %dma_start3A_263 = arith.constant 0 : i32
    %dma_start3A_264 = tpu.memref_slice %arg4[%add3A_262, %dma_start3A_263] : memref<8192x2048xf32, #tpu.memory_space<hbm>> -> memref<8x2048xf32, #tpu.memory_space<hbm>>
    %dma_start3A_265 = arith.constant 0 : i32
    %dma_start3A_266 = tpu.memref_slice %arg4[%add3A_262, %dma_start3A_265] : memref<8192x2048xf32, #tpu.memory_space<hbm>> -> memref<8x2048xf32, #tpu.memory_space<hbm>>
    tpu.enqueue_dma source(%arg10 : memref<8x2048xf32, #tpu.memory_space<vmem>>) target(%dma_start3A_266 : memref<8x2048xf32, #tpu.memory_space<hbm>>) target_semaphore(%arg24 : memref<!tpu.dma_semaphore, #tpu.memory_space<semaphore_mem>>)
    %dma_wait3A_267 = arith.constant 0 : i32
    %dma_wait3A_268 = tpu.memref_slice %arg4[%add3A_262, %dma_wait3A_267] : memref<8192x2048xf32, #tpu.memory_space<hbm>> -> memref<8x2048xf32, #tpu.memory_space<hbm>>
    %dma_wait3A_269 = arith.constant 0 : i32
    %dma_wait3A_270 = tpu.memref_slice %arg4[%add3A_262, %dma_wait3A_269] : memref<8192x2048xf32, #tpu.memory_space<hbm>> -> memref<8x2048xf32, #tpu.memory_space<hbm>>
    tpu.wait_dma2 semaphore(%arg24 : memref<!tpu.dma_semaphore, #tpu.memory_space<semaphore_mem>>) src(%arg10 : memref<8x2048xf32, #tpu.memory_space<vmem>>) dst(%dma_wait3A_270 : memref<8x2048xf32, #tpu.memory_space<hbm>>)
    %dma_start3A_271 = arith.constant 144 : i32
    %dma_start3A_272 = tpu.memref_slice %arg5[%dma_start3A_271] : memref<256xi32, #tpu.memory_space<vmem>> -> memref<8xi32, #tpu.memory_space<vmem>>
    %dma_start3A_273 = arith.constant 0 : i32
    %dma_start3A_274 = arith.constant 0 : i32
    %dma_start3A_275 = tpu.memref_slice %arg2[%dma_start3A_273, %dma_start3A_274] : memref<2048x2048xf32, #tpu.memory_space<hbm>> -> memref<2048x2048xf32, #tpu.memory_space<hbm>>
    tpu.enqueue_indirect_dma source(%dma_start3A_275 : memref<2048x2048xf32, #tpu.memory_space<hbm>>) target(%arg10 : memref<8x2048xf32, #tpu.memory_space<vmem>>) offsets(%dma_start3A_272 : memref<8xi32, #tpu.memory_space<vmem>>) semaphore(%arg17 : memref<!tpu.dma_semaphore, #tpu.memory_space<semaphore_mem>>)
    %dma_wait3A_276 = arith.constant 96 : i32
    %dma_wait3A_277 = tpu.memref_slice %arg5[%dma_wait3A_276] : memref<256xi32, #tpu.memory_space<vmem>> -> memref<8xi32, #tpu.memory_space<vmem>>
    %dma_wait3A_278 = arith.constant 0 : i32
    %dma_wait3A_279 = arith.constant 0 : i32
    %dma_wait3A_280 = tpu.memref_slice %arg2[%dma_wait3A_278, %dma_wait3A_279] : memref<2048x2048xf32, #tpu.memory_space<hbm>> -> memref<2048x2048xf32, #tpu.memory_space<hbm>>
    tpu.wait_indirect_dma semaphore(%arg18 : memref<!tpu.dma_semaphore, #tpu.memory_space<semaphore_mem>>) src(%dma_wait3A_280 : memref<2048x2048xf32, #tpu.memory_space<hbm>>) dst(%arg11 : memref<8x2048xf32, #tpu.memory_space<vmem>>)
    %add3A_281 = arith.constant 96 : i32
    %add3A_282 = arith.addi %mul3A_2, %add3A_281 : i32
    %dma_start3A_283 = arith.constant 0 : i32
    %dma_start3A_284 = tpu.memref_slice %arg4[%add3A_282, %dma_start3A_283] : memref<8192x2048xf32, #tpu.memory_space<hbm>> -> memref<8x2048xf32, #tpu.memory_space<hbm>>
    %dma_start3A_285 = arith.constant 0 : i32
    %dma_start3A_286 = tpu.memref_slice %arg4[%add3A_282, %dma_start3A_285] : memref<8192x2048xf32, #tpu.memory_space<hbm>> -> memref<8x2048xf32, #tpu.memory_space<hbm>>
    tpu.enqueue_dma source(%arg11 : memref<8x2048xf32, #tpu.memory_space<vmem>>) target(%dma_start3A_286 : memref<8x2048xf32, #tpu.memory_space<hbm>>) target_semaphore(%arg25 : memref<!tpu.dma_semaphore, #tpu.memory_space<semaphore_mem>>)
    %dma_wait3A_287 = arith.constant 0 : i32
    %dma_wait3A_288 = tpu.memref_slice %arg4[%add3A_282, %dma_wait3A_287] : memref<8192x2048xf32, #tpu.memory_space<hbm>> -> memref<8x2048xf32, #tpu.memory_space<hbm>>
    %dma_wait3A_289 = arith.constant 0 : i32
    %dma_wait3A_290 = tpu.memref_slice %arg4[%add3A_282, %dma_wait3A_289] : memref<8192x2048xf32, #tpu.memory_space<hbm>> -> memref<8x2048xf32, #tpu.memory_space<hbm>>
    tpu.wait_dma2 semaphore(%arg25 : memref<!tpu.dma_semaphore, #tpu.memory_space<semaphore_mem>>) src(%arg11 : memref<8x2048xf32, #tpu.memory_space<vmem>>) dst(%dma_wait3A_290 : memref<8x2048xf32, #tpu.memory_space<hbm>>)
    %dma_start3A_291 = arith.constant 152 : i32
    %dma_start3A_292 = tpu.memref_slice %arg5[%dma_start3A_291] : memref<256xi32, #tpu.memory_space<vmem>> -> memref<8xi32, #tpu.memory_space<vmem>>
    %dma_start3A_293 = arith.constant 0 : i32
    %dma_start3A_294 = arith.constant 0 : i32
    %dma_start3A_295 = tpu.memref_slice %arg2[%dma_start3A_293, %dma_start3A_294] : memref<2048x2048xf32, #tpu.memory_space<hbm>> -> memref<2048x2048xf32, #tpu.memory_space<hbm>>
    tpu.enqueue_indirect_dma source(%dma_start3A_295 : memref<2048x2048xf32, #tpu.memory_space<hbm>>) target(%arg11 : memref<8x2048xf32, #tpu.memory_space<vmem>>) offsets(%dma_start3A_292 : memref<8xi32, #tpu.memory_space<vmem>>) semaphore(%arg18 : memref<!tpu.dma_semaphore, #tpu.memory_space<semaphore_mem>>)
    %dma_wait3A_296 = arith.constant 104 : i32
    %dma_wait3A_297 = tpu.memref_slice %arg5[%dma_wait3A_296] : memref<256xi32, #tpu.memory_space<vmem>> -> memref<8xi32, #tpu.memory_space<vmem>>
    %dma_wait3A_298 = arith.constant 0 : i32
    %dma_wait3A_299 = arith.constant 0 : i32
    %dma_wait3A_300 = tpu.memref_slice %arg2[%dma_wait3A_298, %dma_wait3A_299] : memref<2048x2048xf32, #tpu.memory_space<hbm>> -> memref<2048x2048xf32, #tpu.memory_space<hbm>>
    tpu.wait_indirect_dma semaphore(%arg19 : memref<!tpu.dma_semaphore, #tpu.memory_space<semaphore_mem>>) src(%dma_wait3A_300 : memref<2048x2048xf32, #tpu.memory_space<hbm>>) dst(%arg12 : memref<8x2048xf32, #tpu.memory_space<vmem>>)
    %add3A_301 = arith.constant 104 : i32
    %add3A_302 = arith.addi %mul3A_2, %add3A_301 : i32
    %dma_start3A_303 = arith.constant 0 : i32
    %dma_start3A_304 = tpu.memref_slice %arg4[%add3A_302, %dma_start3A_303] : memref<8192x2048xf32, #tpu.memory_space<hbm>> -> memref<8x2048xf32, #tpu.memory_space<hbm>>
    %dma_start3A_305 = arith.constant 0 : i32
    %dma_start3A_306 = tpu.memref_slice %arg4[%add3A_302, %dma_start3A_305] : memref<8192x2048xf32, #tpu.memory_space<hbm>> -> memref<8x2048xf32, #tpu.memory_space<hbm>>
    tpu.enqueue_dma source(%arg12 : memref<8x2048xf32, #tpu.memory_space<vmem>>) target(%dma_start3A_306 : memref<8x2048xf32, #tpu.memory_space<hbm>>) target_semaphore(%arg26 : memref<!tpu.dma_semaphore, #tpu.memory_space<semaphore_mem>>)
    %dma_wait3A_307 = arith.constant 0 : i32
    %dma_wait3A_308 = tpu.memref_slice %arg4[%add3A_302, %dma_wait3A_307] : memref<8192x2048xf32, #tpu.memory_space<hbm>> -> memref<8x2048xf32, #tpu.memory_space<hbm>>
    %dma_wait3A_309 = arith.constant 0 : i32
    %dma_wait3A_310 = tpu.memref_slice %arg4[%add3A_302, %dma_wait3A_309] : memref<8192x2048xf32, #tpu.memory_space<hbm>> -> memref<8x2048xf32, #tpu.memory_space<hbm>>
    tpu.wait_dma2 semaphore(%arg26 : memref<!tpu.dma_semaphore, #tpu.memory_space<semaphore_mem>>) src(%arg12 : memref<8x2048xf32, #tpu.memory_space<vmem>>) dst(%dma_wait3A_310 : memref<8x2048xf32, #tpu.memory_space<hbm>>)
    %dma_start3A_311 = arith.constant 160 : i32
    %dma_start3A_312 = tpu.memref_slice %arg5[%dma_start3A_311] : memref<256xi32, #tpu.memory_space<vmem>> -> memref<8xi32, #tpu.memory_space<vmem>>
    %dma_start3A_313 = arith.constant 0 : i32
    %dma_start3A_314 = arith.constant 0 : i32
    %dma_start3A_315 = tpu.memref_slice %arg2[%dma_start3A_313, %dma_start3A_314] : memref<2048x2048xf32, #tpu.memory_space<hbm>> -> memref<2048x2048xf32, #tpu.memory_space<hbm>>
    tpu.enqueue_indirect_dma source(%dma_start3A_315 : memref<2048x2048xf32, #tpu.memory_space<hbm>>) target(%arg12 : memref<8x2048xf32, #tpu.memory_space<vmem>>) offsets(%dma_start3A_312 : memref<8xi32, #tpu.memory_space<vmem>>) semaphore(%arg19 : memref<!tpu.dma_semaphore, #tpu.memory_space<semaphore_mem>>)
    %dma_wait3A_316 = arith.constant 112 : i32
    %dma_wait3A_317 = tpu.memref_slice %arg5[%dma_wait3A_316] : memref<256xi32, #tpu.memory_space<vmem>> -> memref<8xi32, #tpu.memory_space<vmem>>
    %dma_wait3A_318 = arith.constant 0 : i32
    %dma_wait3A_319 = arith.constant 0 : i32
    %dma_wait3A_320 = tpu.memref_slice %arg2[%dma_wait3A_318, %dma_wait3A_319] : memref<2048x2048xf32, #tpu.memory_space<hbm>> -> memref<2048x2048xf32, #tpu.memory_space<hbm>>
    tpu.wait_indirect_dma semaphore(%arg13 : memref<!tpu.dma_semaphore, #tpu.memory_space<semaphore_mem>>) src(%dma_wait3A_320 : memref<2048x2048xf32, #tpu.memory_space<hbm>>) dst(%arg6 : memref<8x2048xf32, #tpu.memory_space<vmem>>)
    %add3A_321 = arith.constant 112 : i32
    %add3A_322 = arith.addi %mul3A_2, %add3A_321 : i32
    %dma_start3A_323 = arith.constant 0 : i32
    %dma_start3A_324 = tpu.memref_slice %arg4[%add3A_322, %dma_start3A_323] : memref<8192x2048xf32, #tpu.memory_space<hbm>> -> memref<8x2048xf32, #tpu.memory_space<hbm>>
    %dma_start3A_325 = arith.constant 0 : i32
    %dma_start3A_326 = tpu.memref_slice %arg4[%add3A_322, %dma_start3A_325] : memref<8192x2048xf32, #tpu.memory_space<hbm>> -> memref<8x2048xf32, #tpu.memory_space<hbm>>
    tpu.enqueue_dma source(%arg6 : memref<8x2048xf32, #tpu.memory_space<vmem>>) target(%dma_start3A_326 : memref<8x2048xf32, #tpu.memory_space<hbm>>) target_semaphore(%arg20 : memref<!tpu.dma_semaphore, #tpu.memory_space<semaphore_mem>>)
    %dma_wait3A_327 = arith.constant 0 : i32
    %dma_wait3A_328 = tpu.memref_slice %arg4[%add3A_322, %dma_wait3A_327] : memref<8192x2048xf32, #tpu.memory_space<hbm>> -> memref<8x2048xf32, #tpu.memory_space<hbm>>
    %dma_wait3A_329 = arith.constant 0 : i32
    %dma_wait3A_330 = tpu.memref_slice %arg4[%add3A_322, %dma_wait3A_329] : memref<8192x2048xf32, #tpu.memory_space<hbm>> -> memref<8x2048xf32, #tpu.memory_space<hbm>>
    tpu.wait_dma2 semaphore(%arg20 : memref<!tpu.dma_semaphore, #tpu.memory_space<semaphore_mem>>) src(%arg6 : memref<8x2048xf32, #tpu.memory_space<vmem>>) dst(%dma_wait3A_330 : memref<8x2048xf32, #tpu.memory_space<hbm>>)
    %dma_start3A_331 = arith.constant 168 : i32
    %dma_start3A_332 = tpu.memref_slice %arg5[%dma_start3A_331] : memref<256xi32, #tpu.memory_space<vmem>> -> memref<8xi32, #tpu.memory_space<vmem>>
    %dma_start3A_333 = arith.constant 0 : i32
    %dma_start3A_334 = arith.constant 0 : i32
    %dma_start3A_335 = tpu.memref_slice %arg2[%dma_start3A_333, %dma_start3A_334] : memref<2048x2048xf32, #tpu.memory_space<hbm>> -> memref<2048x2048xf32, #tpu.memory_space<hbm>>
    tpu.enqueue_indirect_dma source(%dma_start3A_335 : memref<2048x2048xf32, #tpu.memory_space<hbm>>) target(%arg6 : memref<8x2048xf32, #tpu.memory_space<vmem>>) offsets(%dma_start3A_332 : memref<8xi32, #tpu.memory_space<vmem>>) semaphore(%arg13 : memref<!tpu.dma_semaphore, #tpu.memory_space<semaphore_mem>>)
    %dma_wait3A_336 = arith.constant 120 : i32
    %dma_wait3A_337 = tpu.memref_slice %arg5[%dma_wait3A_336] : memref<256xi32, #tpu.memory_space<vmem>> -> memref<8xi32, #tpu.memory_space<vmem>>
    %dma_wait3A_338 = arith.constant 0 : i32
    %dma_wait3A_339 = arith.constant 0 : i32
    %dma_wait3A_340 = tpu.memref_slice %arg2[%dma_wait3A_338, %dma_wait3A_339] : memref<2048x2048xf32, #tpu.memory_space<hbm>> -> memref<2048x2048xf32, #tpu.memory_space<hbm>>
    tpu.wait_indirect_dma semaphore(%arg14 : memref<!tpu.dma_semaphore, #tpu.memory_space<semaphore_mem>>) src(%dma_wait3A_340 : memref<2048x2048xf32, #tpu.memory_space<hbm>>) dst(%arg7 : memref<8x2048xf32, #tpu.memory_space<vmem>>)
    %add3A_341 = arith.constant 120 : i32
    %add3A_342 = arith.addi %mul3A_2, %add3A_341 : i32
    %dma_start3A_343 = arith.constant 0 : i32
    %dma_start3A_344 = tpu.memref_slice %arg4[%add3A_342, %dma_start3A_343] : memref<8192x2048xf32, #tpu.memory_space<hbm>> -> memref<8x2048xf32, #tpu.memory_space<hbm>>
    %dma_start3A_345 = arith.constant 0 : i32
    %dma_start3A_346 = tpu.memref_slice %arg4[%add3A_342, %dma_start3A_345] : memref<8192x2048xf32, #tpu.memory_space<hbm>> -> memref<8x2048xf32, #tpu.memory_space<hbm>>
    tpu.enqueue_dma source(%arg7 : memref<8x2048xf32, #tpu.memory_space<vmem>>) target(%dma_start3A_346 : memref<8x2048xf32, #tpu.memory_space<hbm>>) target_semaphore(%arg21 : memref<!tpu.dma_semaphore, #tpu.memory_space<semaphore_mem>>)
    %dma_wait3A_347 = arith.constant 0 : i32
    %dma_wait3A_348 = tpu.memref_slice %arg4[%add3A_342, %dma_wait3A_347] : memref<8192x2048xf32, #tpu.memory_space<hbm>> -> memref<8x2048xf32, #tpu.memory_space<hbm>>
    %dma_wait3A_349 = arith.constant 0 : i32
    %dma_wait3A_350 = tpu.memref_slice %arg4[%add3A_342, %dma_wait3A_349] : memref<8192x2048xf32, #tpu.memory_space<hbm>> -> memref<8x2048xf32, #tpu.memory_space<hbm>>
    tpu.wait_dma2 semaphore(%arg21 : memref<!tpu.dma_semaphore, #tpu.memory_space<semaphore_mem>>) src(%arg7 : memref<8x2048xf32, #tpu.memory_space<vmem>>) dst(%dma_wait3A_350 : memref<8x2048xf32, #tpu.memory_space<hbm>>)
    %dma_start3A_351 = arith.constant 176 : i32
    %dma_start3A_352 = tpu.memref_slice %arg5[%dma_start3A_351] : memref<256xi32, #tpu.memory_space<vmem>> -> memref<8xi32, #tpu.memory_space<vmem>>
    %dma_start3A_353 = arith.constant 0 : i32
    %dma_start3A_354 = arith.constant 0 : i32
    %dma_start3A_355 = tpu.memref_slice %arg2[%dma_start3A_353, %dma_start3A_354] : memref<2048x2048xf32, #tpu.memory_space<hbm>> -> memref<2048x2048xf32, #tpu.memory_space<hbm>>
    tpu.enqueue_indirect_dma source(%dma_start3A_355 : memref<2048x2048xf32, #tpu.memory_space<hbm>>) target(%arg7 : memref<8x2048xf32, #tpu.memory_space<vmem>>) offsets(%dma_start3A_352 : memref<8xi32, #tpu.memory_space<vmem>>) semaphore(%arg14 : memref<!tpu.dma_semaphore, #tpu.memory_space<semaphore_mem>>)
    %dma_wait3A_356 = arith.constant 128 : i32
    %dma_wait3A_357 = tpu.memref_slice %arg5[%dma_wait3A_356] : memref<256xi32, #tpu.memory_space<vmem>> -> memref<8xi32, #tpu.memory_space<vmem>>
    %dma_wait3A_358 = arith.constant 0 : i32
    %dma_wait3A_359 = arith.constant 0 : i32
    %dma_wait3A_360 = tpu.memref_slice %arg2[%dma_wait3A_358, %dma_wait3A_359] : memref<2048x2048xf32, #tpu.memory_space<hbm>> -> memref<2048x2048xf32, #tpu.memory_space<hbm>>
    tpu.wait_indirect_dma semaphore(%arg15 : memref<!tpu.dma_semaphore, #tpu.memory_space<semaphore_mem>>) src(%dma_wait3A_360 : memref<2048x2048xf32, #tpu.memory_space<hbm>>) dst(%arg8 : memref<8x2048xf32, #tpu.memory_space<vmem>>)
    %add3A_361 = arith.constant 128 : i32
    %add3A_362 = arith.addi %mul3A_2, %add3A_361 : i32
    %dma_start3A_363 = arith.constant 0 : i32
    %dma_start3A_364 = tpu.memref_slice %arg4[%add3A_362, %dma_start3A_363] : memref<8192x2048xf32, #tpu.memory_space<hbm>> -> memref<8x2048xf32, #tpu.memory_space<hbm>>
    %dma_start3A_365 = arith.constant 0 : i32
    %dma_start3A_366 = tpu.memref_slice %arg4[%add3A_362, %dma_start3A_365] : memref<8192x2048xf32, #tpu.memory_space<hbm>> -> memref<8x2048xf32, #tpu.memory_space<hbm>>
    tpu.enqueue_dma source(%arg8 : memref<8x2048xf32, #tpu.memory_space<vmem>>) target(%dma_start3A_366 : memref<8x2048xf32, #tpu.memory_space<hbm>>) target_semaphore(%arg22 : memref<!tpu.dma_semaphore, #tpu.memory_space<semaphore_mem>>)
    %dma_wait3A_367 = arith.constant 0 : i32
    %dma_wait3A_368 = tpu.memref_slice %arg4[%add3A_362, %dma_wait3A_367] : memref<8192x2048xf32, #tpu.memory_space<hbm>> -> memref<8x2048xf32, #tpu.memory_space<hbm>>
    %dma_wait3A_369 = arith.constant 0 : i32
    %dma_wait3A_370 = tpu.memref_slice %arg4[%add3A_362, %dma_wait3A_369] : memref<8192x2048xf32, #tpu.memory_space<hbm>> -> memref<8x2048xf32, #tpu.memory_space<hbm>>
    tpu.wait_dma2 semaphore(%arg22 : memref<!tpu.dma_semaphore, #tpu.memory_space<semaphore_mem>>) src(%arg8 : memref<8x2048xf32, #tpu.memory_space<vmem>>) dst(%dma_wait3A_370 : memref<8x2048xf32, #tpu.memory_space<hbm>>)
    %dma_start3A_371 = arith.constant 184 : i32
    %dma_start3A_372 = tpu.memref_slice %arg5[%dma_start3A_371] : memref<256xi32, #tpu.memory_space<vmem>> -> memref<8xi32, #tpu.memory_space<vmem>>
    %dma_start3A_373 = arith.constant 0 : i32
    %dma_start3A_374 = arith.constant 0 : i32
    %dma_start3A_375 = tpu.memref_slice %arg2[%dma_start3A_373, %dma_start3A_374] : memref<2048x2048xf32, #tpu.memory_space<hbm>> -> memref<2048x2048xf32, #tpu.memory_space<hbm>>
    tpu.enqueue_indirect_dma source(%dma_start3A_375 : memref<2048x2048xf32, #tpu.memory_space<hbm>>) target(%arg8 : memref<8x2048xf32, #tpu.memory_space<vmem>>) offsets(%dma_start3A_372 : memref<8xi32, #tpu.memory_space<vmem>>) semaphore(%arg15 : memref<!tpu.dma_semaphore, #tpu.memory_space<semaphore_mem>>)
    %dma_wait3A_376 = arith.constant 136 : i32
    %dma_wait3A_377 = tpu.memref_slice %arg5[%dma_wait3A_376] : memref<256xi32, #tpu.memory_space<vmem>> -> memref<8xi32, #tpu.memory_space<vmem>>
    %dma_wait3A_378 = arith.constant 0 : i32
    %dma_wait3A_379 = arith.constant 0 : i32
    %dma_wait3A_380 = tpu.memref_slice %arg2[%dma_wait3A_378, %dma_wait3A_379] : memref<2048x2048xf32, #tpu.memory_space<hbm>> -> memref<2048x2048xf32, #tpu.memory_space<hbm>>
    tpu.wait_indirect_dma semaphore(%arg16 : memref<!tpu.dma_semaphore, #tpu.memory_space<semaphore_mem>>) src(%dma_wait3A_380 : memref<2048x2048xf32, #tpu.memory_space<hbm>>) dst(%arg9 : memref<8x2048xf32, #tpu.memory_space<vmem>>)
    %add3A_381 = arith.constant 136 : i32
    %add3A_382 = arith.addi %mul3A_2, %add3A_381 : i32
    %dma_start3A_383 = arith.constant 0 : i32
    %dma_start3A_384 = tpu.memref_slice %arg4[%add3A_382, %dma_start3A_383] : memref<8192x2048xf32, #tpu.memory_space<hbm>> -> memref<8x2048xf32, #tpu.memory_space<hbm>>
    %dma_start3A_385 = arith.constant 0 : i32
    %dma_start3A_386 = tpu.memref_slice %arg4[%add3A_382, %dma_start3A_385] : memref<8192x2048xf32, #tpu.memory_space<hbm>> -> memref<8x2048xf32, #tpu.memory_space<hbm>>
    tpu.enqueue_dma source(%arg9 : memref<8x2048xf32, #tpu.memory_space<vmem>>) target(%dma_start3A_386 : memref<8x2048xf32, #tpu.memory_space<hbm>>) target_semaphore(%arg23 : memref<!tpu.dma_semaphore, #tpu.memory_space<semaphore_mem>>)
    %dma_wait3A_387 = arith.constant 0 : i32
    %dma_wait3A_388 = tpu.memref_slice %arg4[%add3A_382, %dma_wait3A_387] : memref<8192x2048xf32, #tpu.memory_space<hbm>> -> memref<8x2048xf32, #tpu.memory_space<hbm>>
    %dma_wait3A_389 = arith.constant 0 : i32
    %dma_wait3A_390 = tpu.memref_slice %arg4[%add3A_382, %dma_wait3A_389] : memref<8192x2048xf32, #tpu.memory_space<hbm>> -> memref<8x2048xf32, #tpu.memory_space<hbm>>
    tpu.wait_dma2 semaphore(%arg23 : memref<!tpu.dma_semaphore, #tpu.memory_space<semaphore_mem>>) src(%arg9 : memref<8x2048xf32, #tpu.memory_space<vmem>>) dst(%dma_wait3A_390 : memref<8x2048xf32, #tpu.memory_space<hbm>>)
    %dma_start3A_391 = arith.constant 192 : i32
    %dma_start3A_392 = tpu.memref_slice %arg5[%dma_start3A_391] : memref<256xi32, #tpu.memory_space<vmem>> -> memref<8xi32, #tpu.memory_space<vmem>>
    %dma_start3A_393 = arith.constant 0 : i32
    %dma_start3A_394 = arith.constant 0 : i32
    %dma_start3A_395 = tpu.memref_slice %arg2[%dma_start3A_393, %dma_start3A_394] : memref<2048x2048xf32, #tpu.memory_space<hbm>> -> memref<2048x2048xf32, #tpu.memory_space<hbm>>
    tpu.enqueue_indirect_dma source(%dma_start3A_395 : memref<2048x2048xf32, #tpu.memory_space<hbm>>) target(%arg9 : memref<8x2048xf32, #tpu.memory_space<vmem>>) offsets(%dma_start3A_392 : memref<8xi32, #tpu.memory_space<vmem>>) semaphore(%arg16 : memref<!tpu.dma_semaphore, #tpu.memory_space<semaphore_mem>>)
    %dma_wait3A_396 = arith.constant 144 : i32
    %dma_wait3A_397 = tpu.memref_slice %arg5[%dma_wait3A_396] : memref<256xi32, #tpu.memory_space<vmem>> -> memref<8xi32, #tpu.memory_space<vmem>>
    %dma_wait3A_398 = arith.constant 0 : i32
    %dma_wait3A_399 = arith.constant 0 : i32
    %dma_wait3A_400 = tpu.memref_slice %arg2[%dma_wait3A_398, %dma_wait3A_399] : memref<2048x2048xf32, #tpu.memory_space<hbm>> -> memref<2048x2048xf32, #tpu.memory_space<hbm>>
    tpu.wait_indirect_dma semaphore(%arg17 : memref<!tpu.dma_semaphore, #tpu.memory_space<semaphore_mem>>) src(%dma_wait3A_400 : memref<2048x2048xf32, #tpu.memory_space<hbm>>) dst(%arg10 : memref<8x2048xf32, #tpu.memory_space<vmem>>)
    %add3A_401 = arith.constant 144 : i32
    %add3A_402 = arith.addi %mul3A_2, %add3A_401 : i32
    %dma_start3A_403 = arith.constant 0 : i32
    %dma_start3A_404 = tpu.memref_slice %arg4[%add3A_402, %dma_start3A_403] : memref<8192x2048xf32, #tpu.memory_space<hbm>> -> memref<8x2048xf32, #tpu.memory_space<hbm>>
    %dma_start3A_405 = arith.constant 0 : i32
    %dma_start3A_406 = tpu.memref_slice %arg4[%add3A_402, %dma_start3A_405] : memref<8192x2048xf32, #tpu.memory_space<hbm>> -> memref<8x2048xf32, #tpu.memory_space<hbm>>
    tpu.enqueue_dma source(%arg10 : memref<8x2048xf32, #tpu.memory_space<vmem>>) target(%dma_start3A_406 : memref<8x2048xf32, #tpu.memory_space<hbm>>) target_semaphore(%arg24 : memref<!tpu.dma_semaphore, #tpu.memory_space<semaphore_mem>>)
    %dma_wait3A_407 = arith.constant 0 : i32
    %dma_wait3A_408 = tpu.memref_slice %arg4[%add3A_402, %dma_wait3A_407] : memref<8192x2048xf32, #tpu.memory_space<hbm>> -> memref<8x2048xf32, #tpu.memory_space<hbm>>
    %dma_wait3A_409 = arith.constant 0 : i32
    %dma_wait3A_410 = tpu.memref_slice %arg4[%add3A_402, %dma_wait3A_409] : memref<8192x2048xf32, #tpu.memory_space<hbm>> -> memref<8x2048xf32, #tpu.memory_space<hbm>>
    tpu.wait_dma2 semaphore(%arg24 : memref<!tpu.dma_semaphore, #tpu.memory_space<semaphore_mem>>) src(%arg10 : memref<8x2048xf32, #tpu.memory_space<vmem>>) dst(%dma_wait3A_410 : memref<8x2048xf32, #tpu.memory_space<hbm>>)
    %dma_start3A_411 = arith.constant 200 : i32
    %dma_start3A_412 = tpu.memref_slice %arg5[%dma_start3A_411] : memref<256xi32, #tpu.memory_space<vmem>> -> memref<8xi32, #tpu.memory_space<vmem>>
    %dma_start3A_413 = arith.constant 0 : i32
    %dma_start3A_414 = arith.constant 0 : i32
    %dma_start3A_415 = tpu.memref_slice %arg2[%dma_start3A_413, %dma_start3A_414] : memref<2048x2048xf32, #tpu.memory_space<hbm>> -> memref<2048x2048xf32, #tpu.memory_space<hbm>>
    tpu.enqueue_indirect_dma source(%dma_start3A_415 : memref<2048x2048xf32, #tpu.memory_space<hbm>>) target(%arg10 : memref<8x2048xf32, #tpu.memory_space<vmem>>) offsets(%dma_start3A_412 : memref<8xi32, #tpu.memory_space<vmem>>) semaphore(%arg17 : memref<!tpu.dma_semaphore, #tpu.memory_space<semaphore_mem>>)
    %dma_wait3A_416 = arith.constant 152 : i32
    %dma_wait3A_417 = tpu.memref_slice %arg5[%dma_wait3A_416] : memref<256xi32, #tpu.memory_space<vmem>> -> memref<8xi32, #tpu.memory_space<vmem>>
    %dma_wait3A_418 = arith.constant 0 : i32
    %dma_wait3A_419 = arith.constant 0 : i32
    %dma_wait3A_420 = tpu.memref_slice %arg2[%dma_wait3A_418, %dma_wait3A_419] : memref<2048x2048xf32, #tpu.memory_space<hbm>> -> memref<2048x2048xf32, #tpu.memory_space<hbm>>
    tpu.wait_indirect_dma semaphore(%arg18 : memref<!tpu.dma_semaphore, #tpu.memory_space<semaphore_mem>>) src(%dma_wait3A_420 : memref<2048x2048xf32, #tpu.memory_space<hbm>>) dst(%arg11 : memref<8x2048xf32, #tpu.memory_space<vmem>>)
    %add3A_421 = arith.constant 152 : i32
    %add3A_422 = arith.addi %mul3A_2, %add3A_421 : i32
    %dma_start3A_423 = arith.constant 0 : i32
    %dma_start3A_424 = tpu.memref_slice %arg4[%add3A_422, %dma_start3A_423] : memref<8192x2048xf32, #tpu.memory_space<hbm>> -> memref<8x2048xf32, #tpu.memory_space<hbm>>
    %dma_start3A_425 = arith.constant 0 : i32
    %dma_start3A_426 = tpu.memref_slice %arg4[%add3A_422, %dma_start3A_425] : memref<8192x2048xf32, #tpu.memory_space<hbm>> -> memref<8x2048xf32, #tpu.memory_space<hbm>>
    tpu.enqueue_dma source(%arg11 : memref<8x2048xf32, #tpu.memory_space<vmem>>) target(%dma_start3A_426 : memref<8x2048xf32, #tpu.memory_space<hbm>>) target_semaphore(%arg25 : memref<!tpu.dma_semaphore, #tpu.memory_space<semaphore_mem>>)
    %dma_wait3A_427 = arith.constant 0 : i32
    %dma_wait3A_428 = tpu.memref_slice %arg4[%add3A_422, %dma_wait3A_427] : memref<8192x2048xf32, #tpu.memory_space<hbm>> -> memref<8x2048xf32, #tpu.memory_space<hbm>>
    %dma_wait3A_429 = arith.constant 0 : i32
    %dma_wait3A_430 = tpu.memref_slice %arg4[%add3A_422, %dma_wait3A_429] : memref<8192x2048xf32, #tpu.memory_space<hbm>> -> memref<8x2048xf32, #tpu.memory_space<hbm>>
    tpu.wait_dma2 semaphore(%arg25 : memref<!tpu.dma_semaphore, #tpu.memory_space<semaphore_mem>>) src(%arg11 : memref<8x2048xf32, #tpu.memory_space<vmem>>) dst(%dma_wait3A_430 : memref<8x2048xf32, #tpu.memory_space<hbm>>)
    %dma_start3A_431 = arith.constant 208 : i32
    %dma_start3A_432 = tpu.memref_slice %arg5[%dma_start3A_431] : memref<256xi32, #tpu.memory_space<vmem>> -> memref<8xi32, #tpu.memory_space<vmem>>
    %dma_start3A_433 = arith.constant 0 : i32
    %dma_start3A_434 = arith.constant 0 : i32
    %dma_start3A_435 = tpu.memref_slice %arg2[%dma_start3A_433, %dma_start3A_434] : memref<2048x2048xf32, #tpu.memory_space<hbm>> -> memref<2048x2048xf32, #tpu.memory_space<hbm>>
    tpu.enqueue_indirect_dma source(%dma_start3A_435 : memref<2048x2048xf32, #tpu.memory_space<hbm>>) target(%arg11 : memref<8x2048xf32, #tpu.memory_space<vmem>>) offsets(%dma_start3A_432 : memref<8xi32, #tpu.memory_space<vmem>>) semaphore(%arg18 : memref<!tpu.dma_semaphore, #tpu.memory_space<semaphore_mem>>)
    %dma_wait3A_436 = arith.constant 160 : i32
    %dma_wait3A_437 = tpu.memref_slice %arg5[%dma_wait3A_436] : memref<256xi32, #tpu.memory_space<vmem>> -> memref<8xi32, #tpu.memory_space<vmem>>
    %dma_wait3A_438 = arith.constant 0 : i32
    %dma_wait3A_439 = arith.constant 0 : i32
    %dma_wait3A_440 = tpu.memref_slice %arg2[%dma_wait3A_438, %dma_wait3A_439] : memref<2048x2048xf32, #tpu.memory_space<hbm>> -> memref<2048x2048xf32, #tpu.memory_space<hbm>>
    tpu.wait_indirect_dma semaphore(%arg19 : memref<!tpu.dma_semaphore, #tpu.memory_space<semaphore_mem>>) src(%dma_wait3A_440 : memref<2048x2048xf32, #tpu.memory_space<hbm>>) dst(%arg12 : memref<8x2048xf32, #tpu.memory_space<vmem>>)
    %add3A_441 = arith.constant 160 : i32
    %add3A_442 = arith.addi %mul3A_2, %add3A_441 : i32
    %dma_start3A_443 = arith.constant 0 : i32
    %dma_start3A_444 = tpu.memref_slice %arg4[%add3A_442, %dma_start3A_443] : memref<8192x2048xf32, #tpu.memory_space<hbm>> -> memref<8x2048xf32, #tpu.memory_space<hbm>>
    %dma_start3A_445 = arith.constant 0 : i32
    %dma_start3A_446 = tpu.memref_slice %arg4[%add3A_442, %dma_start3A_445] : memref<8192x2048xf32, #tpu.memory_space<hbm>> -> memref<8x2048xf32, #tpu.memory_space<hbm>>
    tpu.enqueue_dma source(%arg12 : memref<8x2048xf32, #tpu.memory_space<vmem>>) target(%dma_start3A_446 : memref<8x2048xf32, #tpu.memory_space<hbm>>) target_semaphore(%arg26 : memref<!tpu.dma_semaphore, #tpu.memory_space<semaphore_mem>>)
    %dma_wait3A_447 = arith.constant 0 : i32
    %dma_wait3A_448 = tpu.memref_slice %arg4[%add3A_442, %dma_wait3A_447] : memref<8192x2048xf32, #tpu.memory_space<hbm>> -> memref<8x2048xf32, #tpu.memory_space<hbm>>
    %dma_wait3A_449 = arith.constant 0 : i32
    %dma_wait3A_450 = tpu.memref_slice %arg4[%add3A_442, %dma_wait3A_449] : memref<8192x2048xf32, #tpu.memory_space<hbm>> -> memref<8x2048xf32, #tpu.memory_space<hbm>>
    tpu.wait_dma2 semaphore(%arg26 : memref<!tpu.dma_semaphore, #tpu.memory_space<semaphore_mem>>) src(%arg12 : memref<8x2048xf32, #tpu.memory_space<vmem>>) dst(%dma_wait3A_450 : memref<8x2048xf32, #tpu.memory_space<hbm>>)
    %dma_start3A_451 = arith.constant 216 : i32
    %dma_start3A_452 = tpu.memref_slice %arg5[%dma_start3A_451] : memref<256xi32, #tpu.memory_space<vmem>> -> memref<8xi32, #tpu.memory_space<vmem>>
    %dma_start3A_453 = arith.constant 0 : i32
    %dma_start3A_454 = arith.constant 0 : i32
    %dma_start3A_455 = tpu.memref_slice %arg2[%dma_start3A_453, %dma_start3A_454] : memref<2048x2048xf32, #tpu.memory_space<hbm>> -> memref<2048x2048xf32, #tpu.memory_space<hbm>>
    tpu.enqueue_indirect_dma source(%dma_start3A_455 : memref<2048x2048xf32, #tpu.memory_space<hbm>>) target(%arg12 : memref<8x2048xf32, #tpu.memory_space<vmem>>) offsets(%dma_start3A_452 : memref<8xi32, #tpu.memory_space<vmem>>) semaphore(%arg19 : memref<!tpu.dma_semaphore, #tpu.memory_space<semaphore_mem>>)
    %dma_wait3A_456 = arith.constant 168 : i32
    %dma_wait3A_457 = tpu.memref_slice %arg5[%dma_wait3A_456] : memref<256xi32, #tpu.memory_space<vmem>> -> memref<8xi32, #tpu.memory_space<vmem>>
    %dma_wait3A_458 = arith.constant 0 : i32
    %dma_wait3A_459 = arith.constant 0 : i32
    %dma_wait3A_460 = tpu.memref_slice %arg2[%dma_wait3A_458, %dma_wait3A_459] : memref<2048x2048xf32, #tpu.memory_space<hbm>> -> memref<2048x2048xf32, #tpu.memory_space<hbm>>
    tpu.wait_indirect_dma semaphore(%arg13 : memref<!tpu.dma_semaphore, #tpu.memory_space<semaphore_mem>>) src(%dma_wait3A_460 : memref<2048x2048xf32, #tpu.memory_space<hbm>>) dst(%arg6 : memref<8x2048xf32, #tpu.memory_space<vmem>>)
    %add3A_461 = arith.constant 168 : i32
    %add3A_462 = arith.addi %mul3A_2, %add3A_461 : i32
    %dma_start3A_463 = arith.constant 0 : i32
    %dma_start3A_464 = tpu.memref_slice %arg4[%add3A_462, %dma_start3A_463] : memref<8192x2048xf32, #tpu.memory_space<hbm>> -> memref<8x2048xf32, #tpu.memory_space<hbm>>
    %dma_start3A_465 = arith.constant 0 : i32
    %dma_start3A_466 = tpu.memref_slice %arg4[%add3A_462, %dma_start3A_465] : memref<8192x2048xf32, #tpu.memory_space<hbm>> -> memref<8x2048xf32, #tpu.memory_space<hbm>>
    tpu.enqueue_dma source(%arg6 : memref<8x2048xf32, #tpu.memory_space<vmem>>) target(%dma_start3A_466 : memref<8x2048xf32, #tpu.memory_space<hbm>>) target_semaphore(%arg20 : memref<!tpu.dma_semaphore, #tpu.memory_space<semaphore_mem>>)
    %dma_wait3A_467 = arith.constant 0 : i32
    %dma_wait3A_468 = tpu.memref_slice %arg4[%add3A_462, %dma_wait3A_467] : memref<8192x2048xf32, #tpu.memory_space<hbm>> -> memref<8x2048xf32, #tpu.memory_space<hbm>>
    %dma_wait3A_469 = arith.constant 0 : i32
    %dma_wait3A_470 = tpu.memref_slice %arg4[%add3A_462, %dma_wait3A_469] : memref<8192x2048xf32, #tpu.memory_space<hbm>> -> memref<8x2048xf32, #tpu.memory_space<hbm>>
    tpu.wait_dma2 semaphore(%arg20 : memref<!tpu.dma_semaphore, #tpu.memory_space<semaphore_mem>>) src(%arg6 : memref<8x2048xf32, #tpu.memory_space<vmem>>) dst(%dma_wait3A_470 : memref<8x2048xf32, #tpu.memory_space<hbm>>)
    %dma_start3A_471 = arith.constant 224 : i32
    %dma_start3A_472 = tpu.memref_slice %arg5[%dma_start3A_471] : memref<256xi32, #tpu.memory_space<vmem>> -> memref<8xi32, #tpu.memory_space<vmem>>
    %dma_start3A_473 = arith.constant 0 : i32
    %dma_start3A_474 = arith.constant 0 : i32
    %dma_start3A_475 = tpu.memref_slice %arg2[%dma_start3A_473, %dma_start3A_474] : memref<2048x2048xf32, #tpu.memory_space<hbm>> -> memref<2048x2048xf32, #tpu.memory_space<hbm>>
    tpu.enqueue_indirect_dma source(%dma_start3A_475 : memref<2048x2048xf32, #tpu.memory_space<hbm>>) target(%arg6 : memref<8x2048xf32, #tpu.memory_space<vmem>>) offsets(%dma_start3A_472 : memref<8xi32, #tpu.memory_space<vmem>>) semaphore(%arg13 : memref<!tpu.dma_semaphore, #tpu.memory_space<semaphore_mem>>)
    %dma_wait3A_476 = arith.constant 176 : i32
    %dma_wait3A_477 = tpu.memref_slice %arg5[%dma_wait3A_476] : memref<256xi32, #tpu.memory_space<vmem>> -> memref<8xi32, #tpu.memory_space<vmem>>
    %dma_wait3A_478 = arith.constant 0 : i32
    %dma_wait3A_479 = arith.constant 0 : i32
    %dma_wait3A_480 = tpu.memref_slice %arg2[%dma_wait3A_478, %dma_wait3A_479] : memref<2048x2048xf32, #tpu.memory_space<hbm>> -> memref<2048x2048xf32, #tpu.memory_space<hbm>>
    tpu.wait_indirect_dma semaphore(%arg14 : memref<!tpu.dma_semaphore, #tpu.memory_space<semaphore_mem>>) src(%dma_wait3A_480 : memref<2048x2048xf32, #tpu.memory_space<hbm>>) dst(%arg7 : memref<8x2048xf32, #tpu.memory_space<vmem>>)
    %add3A_481 = arith.constant 176 : i32
    %add3A_482 = arith.addi %mul3A_2, %add3A_481 : i32
    %dma_start3A_483 = arith.constant 0 : i32
    %dma_start3A_484 = tpu.memref_slice %arg4[%add3A_482, %dma_start3A_483] : memref<8192x2048xf32, #tpu.memory_space<hbm>> -> memref<8x2048xf32, #tpu.memory_space<hbm>>
    %dma_start3A_485 = arith.constant 0 : i32
    %dma_start3A_486 = tpu.memref_slice %arg4[%add3A_482, %dma_start3A_485] : memref<8192x2048xf32, #tpu.memory_space<hbm>> -> memref<8x2048xf32, #tpu.memory_space<hbm>>
    tpu.enqueue_dma source(%arg7 : memref<8x2048xf32, #tpu.memory_space<vmem>>) target(%dma_start3A_486 : memref<8x2048xf32, #tpu.memory_space<hbm>>) target_semaphore(%arg21 : memref<!tpu.dma_semaphore, #tpu.memory_space<semaphore_mem>>)
    %dma_wait3A_487 = arith.constant 0 : i32
    %dma_wait3A_488 = tpu.memref_slice %arg4[%add3A_482, %dma_wait3A_487] : memref<8192x2048xf32, #tpu.memory_space<hbm>> -> memref<8x2048xf32, #tpu.memory_space<hbm>>
    %dma_wait3A_489 = arith.constant 0 : i32
    %dma_wait3A_490 = tpu.memref_slice %arg4[%add3A_482, %dma_wait3A_489] : memref<8192x2048xf32, #tpu.memory_space<hbm>> -> memref<8x2048xf32, #tpu.memory_space<hbm>>
    tpu.wait_dma2 semaphore(%arg21 : memref<!tpu.dma_semaphore, #tpu.memory_space<semaphore_mem>>) src(%arg7 : memref<8x2048xf32, #tpu.memory_space<vmem>>) dst(%dma_wait3A_490 : memref<8x2048xf32, #tpu.memory_space<hbm>>)
    %dma_start3A_491 = arith.constant 232 : i32
    %dma_start3A_492 = tpu.memref_slice %arg5[%dma_start3A_491] : memref<256xi32, #tpu.memory_space<vmem>> -> memref<8xi32, #tpu.memory_space<vmem>>
    %dma_start3A_493 = arith.constant 0 : i32
    %dma_start3A_494 = arith.constant 0 : i32
    %dma_start3A_495 = tpu.memref_slice %arg2[%dma_start3A_493, %dma_start3A_494] : memref<2048x2048xf32, #tpu.memory_space<hbm>> -> memref<2048x2048xf32, #tpu.memory_space<hbm>>
    tpu.enqueue_indirect_dma source(%dma_start3A_495 : memref<2048x2048xf32, #tpu.memory_space<hbm>>) target(%arg7 : memref<8x2048xf32, #tpu.memory_space<vmem>>) offsets(%dma_start3A_492 : memref<8xi32, #tpu.memory_space<vmem>>) semaphore(%arg14 : memref<!tpu.dma_semaphore, #tpu.memory_space<semaphore_mem>>)
    %dma_wait3A_496 = arith.constant 184 : i32
    %dma_wait3A_497 = tpu.memref_slice %arg5[%dma_wait3A_496] : memref<256xi32, #tpu.memory_space<vmem>> -> memref<8xi32, #tpu.memory_space<vmem>>
    %dma_wait3A_498 = arith.constant 0 : i32
    %dma_wait3A_499 = arith.constant 0 : i32
    %dma_wait3A_500 = tpu.memref_slice %arg2[%dma_wait3A_498, %dma_wait3A_499] : memref<2048x2048xf32, #tpu.memory_space<hbm>> -> memref<2048x2048xf32, #tpu.memory_space<hbm>>
    tpu.wait_indirect_dma semaphore(%arg15 : memref<!tpu.dma_semaphore, #tpu.memory_space<semaphore_mem>>) src(%dma_wait3A_500 : memref<2048x2048xf32, #tpu.memory_space<hbm>>) dst(%arg8 : memref<8x2048xf32, #tpu.memory_space<vmem>>)
    %add3A_501 = arith.constant 184 : i32
    %add3A_502 = arith.addi %mul3A_2, %add3A_501 : i32
    %dma_start3A_503 = arith.constant 0 : i32
    %dma_start3A_504 = tpu.memref_slice %arg4[%add3A_502, %dma_start3A_503] : memref<8192x2048xf32, #tpu.memory_space<hbm>> -> memref<8x2048xf32, #tpu.memory_space<hbm>>
    %dma_start3A_505 = arith.constant 0 : i32
    %dma_start3A_506 = tpu.memref_slice %arg4[%add3A_502, %dma_start3A_505] : memref<8192x2048xf32, #tpu.memory_space<hbm>> -> memref<8x2048xf32, #tpu.memory_space<hbm>>
    tpu.enqueue_dma source(%arg8 : memref<8x2048xf32, #tpu.memory_space<vmem>>) target(%dma_start3A_506 : memref<8x2048xf32, #tpu.memory_space<hbm>>) target_semaphore(%arg22 : memref<!tpu.dma_semaphore, #tpu.memory_space<semaphore_mem>>)
    %dma_wait3A_507 = arith.constant 0 : i32
    %dma_wait3A_508 = tpu.memref_slice %arg4[%add3A_502, %dma_wait3A_507] : memref<8192x2048xf32, #tpu.memory_space<hbm>> -> memref<8x2048xf32, #tpu.memory_space<hbm>>
    %dma_wait3A_509 = arith.constant 0 : i32
    %dma_wait3A_510 = tpu.memref_slice %arg4[%add3A_502, %dma_wait3A_509] : memref<8192x2048xf32, #tpu.memory_space<hbm>> -> memref<8x2048xf32, #tpu.memory_space<hbm>>
    tpu.wait_dma2 semaphore(%arg22 : memref<!tpu.dma_semaphore, #tpu.memory_space<semaphore_mem>>) src(%arg8 : memref<8x2048xf32, #tpu.memory_space<vmem>>) dst(%dma_wait3A_510 : memref<8x2048xf32, #tpu.memory_space<hbm>>)
    %dma_start3A_511 = arith.constant 240 : i32
    %dma_start3A_512 = tpu.memref_slice %arg5[%dma_start3A_511] : memref<256xi32, #tpu.memory_space<vmem>> -> memref<8xi32, #tpu.memory_space<vmem>>
    %dma_start3A_513 = arith.constant 0 : i32
    %dma_start3A_514 = arith.constant 0 : i32
    %dma_start3A_515 = tpu.memref_slice %arg2[%dma_start3A_513, %dma_start3A_514] : memref<2048x2048xf32, #tpu.memory_space<hbm>> -> memref<2048x2048xf32, #tpu.memory_space<hbm>>
    tpu.enqueue_indirect_dma source(%dma_start3A_515 : memref<2048x2048xf32, #tpu.memory_space<hbm>>) target(%arg8 : memref<8x2048xf32, #tpu.memory_space<vmem>>) offsets(%dma_start3A_512 : memref<8xi32, #tpu.memory_space<vmem>>) semaphore(%arg15 : memref<!tpu.dma_semaphore, #tpu.memory_space<semaphore_mem>>)
    %dma_wait3A_516 = arith.constant 192 : i32
    %dma_wait3A_517 = tpu.memref_slice %arg5[%dma_wait3A_516] : memref<256xi32, #tpu.memory_space<vmem>> -> memref<8xi32, #tpu.memory_space<vmem>>
    %dma_wait3A_518 = arith.constant 0 : i32
    %dma_wait3A_519 = arith.constant 0 : i32
    %dma_wait3A_520 = tpu.memref_slice %arg2[%dma_wait3A_518, %dma_wait3A_519] : memref<2048x2048xf32, #tpu.memory_space<hbm>> -> memref<2048x2048xf32, #tpu.memory_space<hbm>>
    tpu.wait_indirect_dma semaphore(%arg16 : memref<!tpu.dma_semaphore, #tpu.memory_space<semaphore_mem>>) src(%dma_wait3A_520 : memref<2048x2048xf32, #tpu.memory_space<hbm>>) dst(%arg9 : memref<8x2048xf32, #tpu.memory_space<vmem>>)
    %add3A_521 = arith.constant 192 : i32
    %add3A_522 = arith.addi %mul3A_2, %add3A_521 : i32
    %dma_start3A_523 = arith.constant 0 : i32
    %dma_start3A_524 = tpu.memref_slice %arg4[%add3A_522, %dma_start3A_523] : memref<8192x2048xf32, #tpu.memory_space<hbm>> -> memref<8x2048xf32, #tpu.memory_space<hbm>>
    %dma_start3A_525 = arith.constant 0 : i32
    %dma_start3A_526 = tpu.memref_slice %arg4[%add3A_522, %dma_start3A_525] : memref<8192x2048xf32, #tpu.memory_space<hbm>> -> memref<8x2048xf32, #tpu.memory_space<hbm>>
    tpu.enqueue_dma source(%arg9 : memref<8x2048xf32, #tpu.memory_space<vmem>>) target(%dma_start3A_526 : memref<8x2048xf32, #tpu.memory_space<hbm>>) target_semaphore(%arg23 : memref<!tpu.dma_semaphore, #tpu.memory_space<semaphore_mem>>)
    %dma_wait3A_527 = arith.constant 0 : i32
    %dma_wait3A_528 = tpu.memref_slice %arg4[%add3A_522, %dma_wait3A_527] : memref<8192x2048xf32, #tpu.memory_space<hbm>> -> memref<8x2048xf32, #tpu.memory_space<hbm>>
    %dma_wait3A_529 = arith.constant 0 : i32
    %dma_wait3A_530 = tpu.memref_slice %arg4[%add3A_522, %dma_wait3A_529] : memref<8192x2048xf32, #tpu.memory_space<hbm>> -> memref<8x2048xf32, #tpu.memory_space<hbm>>
    tpu.wait_dma2 semaphore(%arg23 : memref<!tpu.dma_semaphore, #tpu.memory_space<semaphore_mem>>) src(%arg9 : memref<8x2048xf32, #tpu.memory_space<vmem>>) dst(%dma_wait3A_530 : memref<8x2048xf32, #tpu.memory_space<hbm>>)
    %dma_start3A_531 = arith.constant 248 : i32
    %dma_start3A_532 = tpu.memref_slice %arg5[%dma_start3A_531] : memref<256xi32, #tpu.memory_space<vmem>> -> memref<8xi32, #tpu.memory_space<vmem>>
    %dma_start3A_533 = arith.constant 0 : i32
    %dma_start3A_534 = arith.constant 0 : i32
    %dma_start3A_535 = tpu.memref_slice %arg2[%dma_start3A_533, %dma_start3A_534] : memref<2048x2048xf32, #tpu.memory_space<hbm>> -> memref<2048x2048xf32, #tpu.memory_space<hbm>>
    tpu.enqueue_indirect_dma source(%dma_start3A_535 : memref<2048x2048xf32, #tpu.memory_space<hbm>>) target(%arg9 : memref<8x2048xf32, #tpu.memory_space<vmem>>) offsets(%dma_start3A_532 : memref<8xi32, #tpu.memory_space<vmem>>) semaphore(%arg16 : memref<!tpu.dma_semaphore, #tpu.memory_space<semaphore_mem>>)
    %dma_wait3A_536 = arith.constant 200 : i32
    %dma_wait3A_537 = tpu.memref_slice %arg5[%dma_wait3A_536] : memref<256xi32, #tpu.memory_space<vmem>> -> memref<8xi32, #tpu.memory_space<vmem>>
    %dma_wait3A_538 = arith.constant 0 : i32
    %dma_wait3A_539 = arith.constant 0 : i32
    %dma_wait3A_540 = tpu.memref_slice %arg2[%dma_wait3A_538, %dma_wait3A_539] : memref<2048x2048xf32, #tpu.memory_space<hbm>> -> memref<2048x2048xf32, #tpu.memory_space<hbm>>
    tpu.wait_indirect_dma semaphore(%arg17 : memref<!tpu.dma_semaphore, #tpu.memory_space<semaphore_mem>>) src(%dma_wait3A_540 : memref<2048x2048xf32, #tpu.memory_space<hbm>>) dst(%arg10 : memref<8x2048xf32, #tpu.memory_space<vmem>>)
    %add3A_541 = arith.constant 200 : i32
    %add3A_542 = arith.addi %mul3A_2, %add3A_541 : i32
    %dma_start3A_543 = arith.constant 0 : i32
    %dma_start3A_544 = tpu.memref_slice %arg4[%add3A_542, %dma_start3A_543] : memref<8192x2048xf32, #tpu.memory_space<hbm>> -> memref<8x2048xf32, #tpu.memory_space<hbm>>
    %dma_start3A_545 = arith.constant 0 : i32
    %dma_start3A_546 = tpu.memref_slice %arg4[%add3A_542, %dma_start3A_545] : memref<8192x2048xf32, #tpu.memory_space<hbm>> -> memref<8x2048xf32, #tpu.memory_space<hbm>>
    tpu.enqueue_dma source(%arg10 : memref<8x2048xf32, #tpu.memory_space<vmem>>) target(%dma_start3A_546 : memref<8x2048xf32, #tpu.memory_space<hbm>>) target_semaphore(%arg24 : memref<!tpu.dma_semaphore, #tpu.memory_space<semaphore_mem>>)
    %dma_wait3A_547 = arith.constant 208 : i32
    %dma_wait3A_548 = tpu.memref_slice %arg5[%dma_wait3A_547] : memref<256xi32, #tpu.memory_space<vmem>> -> memref<8xi32, #tpu.memory_space<vmem>>
    %dma_wait3A_549 = arith.constant 0 : i32
    %dma_wait3A_550 = arith.constant 0 : i32
    %dma_wait3A_551 = tpu.memref_slice %arg2[%dma_wait3A_549, %dma_wait3A_550] : memref<2048x2048xf32, #tpu.memory_space<hbm>> -> memref<2048x2048xf32, #tpu.memory_space<hbm>>
    tpu.wait_indirect_dma semaphore(%arg18 : memref<!tpu.dma_semaphore, #tpu.memory_space<semaphore_mem>>) src(%dma_wait3A_551 : memref<2048x2048xf32, #tpu.memory_space<hbm>>) dst(%arg11 : memref<8x2048xf32, #tpu.memory_space<vmem>>)
    %add3A_552 = arith.constant 208 : i32
    %add3A_553 = arith.addi %mul3A_2, %add3A_552 : i32
    %dma_start3A_554 = arith.constant 0 : i32
    %dma_start3A_555 = tpu.memref_slice %arg4[%add3A_553, %dma_start3A_554] : memref<8192x2048xf32, #tpu.memory_space<hbm>> -> memref<8x2048xf32, #tpu.memory_space<hbm>>
    %dma_start3A_556 = arith.constant 0 : i32
    %dma_start3A_557 = tpu.memref_slice %arg4[%add3A_553, %dma_start3A_556] : memref<8192x2048xf32, #tpu.memory_space<hbm>> -> memref<8x2048xf32, #tpu.memory_space<hbm>>
    tpu.enqueue_dma source(%arg11 : memref<8x2048xf32, #tpu.memory_space<vmem>>) target(%dma_start3A_557 : memref<8x2048xf32, #tpu.memory_space<hbm>>) target_semaphore(%arg25 : memref<!tpu.dma_semaphore, #tpu.memory_space<semaphore_mem>>)
    %dma_wait3A_558 = arith.constant 216 : i32
    %dma_wait3A_559 = tpu.memref_slice %arg5[%dma_wait3A_558] : memref<256xi32, #tpu.memory_space<vmem>> -> memref<8xi32, #tpu.memory_space<vmem>>
    %dma_wait3A_560 = arith.constant 0 : i32
    %dma_wait3A_561 = arith.constant 0 : i32
    %dma_wait3A_562 = tpu.memref_slice %arg2[%dma_wait3A_560, %dma_wait3A_561] : memref<2048x2048xf32, #tpu.memory_space<hbm>> -> memref<2048x2048xf32, #tpu.memory_space<hbm>>
    tpu.wait_indirect_dma semaphore(%arg19 : memref<!tpu.dma_semaphore, #tpu.memory_space<semaphore_mem>>) src(%dma_wait3A_562 : memref<2048x2048xf32, #tpu.memory_space<hbm>>) dst(%arg12 : memref<8x2048xf32, #tpu.memory_space<vmem>>)
    %add3A_563 = arith.constant 216 : i32
    %add3A_564 = arith.addi %mul3A_2, %add3A_563 : i32
    %dma_start3A_565 = arith.constant 0 : i32
    %dma_start3A_566 = tpu.memref_slice %arg4[%add3A_564, %dma_start3A_565] : memref<8192x2048xf32, #tpu.memory_space<hbm>> -> memref<8x2048xf32, #tpu.memory_space<hbm>>
    %dma_start3A_567 = arith.constant 0 : i32
    %dma_start3A_568 = tpu.memref_slice %arg4[%add3A_564, %dma_start3A_567] : memref<8192x2048xf32, #tpu.memory_space<hbm>> -> memref<8x2048xf32, #tpu.memory_space<hbm>>
    tpu.enqueue_dma source(%arg12 : memref<8x2048xf32, #tpu.memory_space<vmem>>) target(%dma_start3A_568 : memref<8x2048xf32, #tpu.memory_space<hbm>>) target_semaphore(%arg26 : memref<!tpu.dma_semaphore, #tpu.memory_space<semaphore_mem>>)
    %dma_wait3A_569 = arith.constant 224 : i32
    %dma_wait3A_570 = tpu.memref_slice %arg5[%dma_wait3A_569] : memref<256xi32, #tpu.memory_space<vmem>> -> memref<8xi32, #tpu.memory_space<vmem>>
    %dma_wait3A_571 = arith.constant 0 : i32
    %dma_wait3A_572 = arith.constant 0 : i32
    %dma_wait3A_573 = tpu.memref_slice %arg2[%dma_wait3A_571, %dma_wait3A_572] : memref<2048x2048xf32, #tpu.memory_space<hbm>> -> memref<2048x2048xf32, #tpu.memory_space<hbm>>
    tpu.wait_indirect_dma semaphore(%arg13 : memref<!tpu.dma_semaphore, #tpu.memory_space<semaphore_mem>>) src(%dma_wait3A_573 : memref<2048x2048xf32, #tpu.memory_space<hbm>>) dst(%arg6 : memref<8x2048xf32, #tpu.memory_space<vmem>>)
    %add3A_574 = arith.constant 224 : i32
    %add3A_575 = arith.addi %mul3A_2, %add3A_574 : i32
    %dma_start3A_576 = arith.constant 0 : i32
    %dma_start3A_577 = tpu.memref_slice %arg4[%add3A_575, %dma_start3A_576] : memref<8192x2048xf32, #tpu.memory_space<hbm>> -> memref<8x2048xf32, #tpu.memory_space<hbm>>
    %dma_start3A_578 = arith.constant 0 : i32
    %dma_start3A_579 = tpu.memref_slice %arg4[%add3A_575, %dma_start3A_578] : memref<8192x2048xf32, #tpu.memory_space<hbm>> -> memref<8x2048xf32, #tpu.memory_space<hbm>>
    tpu.enqueue_dma source(%arg6 : memref<8x2048xf32, #tpu.memory_space<vmem>>) target(%dma_start3A_579 : memref<8x2048xf32, #tpu.memory_space<hbm>>) target_semaphore(%arg20 : memref<!tpu.dma_semaphore, #tpu.memory_space<semaphore_mem>>)
    %dma_wait3A_580 = arith.constant 232 : i32
    %dma_wait3A_581 = tpu.memref_slice %arg5[%dma_wait3A_580] : memref<256xi32, #tpu.memory_space<vmem>> -> memref<8xi32, #tpu.memory_space<vmem>>
    %dma_wait3A_582 = arith.constant 0 : i32
    %dma_wait3A_583 = arith.constant 0 : i32
    %dma_wait3A_584 = tpu.memref_slice %arg2[%dma_wait3A_582, %dma_wait3A_583] : memref<2048x2048xf32, #tpu.memory_space<hbm>> -> memref<2048x2048xf32, #tpu.memory_space<hbm>>
    tpu.wait_indirect_dma semaphore(%arg14 : memref<!tpu.dma_semaphore, #tpu.memory_space<semaphore_mem>>) src(%dma_wait3A_584 : memref<2048x2048xf32, #tpu.memory_space<hbm>>) dst(%arg7 : memref<8x2048xf32, #tpu.memory_space<vmem>>)
    %add3A_585 = arith.constant 232 : i32
    %add3A_586 = arith.addi %mul3A_2, %add3A_585 : i32
    %dma_start3A_587 = arith.constant 0 : i32
    %dma_start3A_588 = tpu.memref_slice %arg4[%add3A_586, %dma_start3A_587] : memref<8192x2048xf32, #tpu.memory_space<hbm>> -> memref<8x2048xf32, #tpu.memory_space<hbm>>
    %dma_start3A_589 = arith.constant 0 : i32
    %dma_start3A_590 = tpu.memref_slice %arg4[%add3A_586, %dma_start3A_589] : memref<8192x2048xf32, #tpu.memory_space<hbm>> -> memref<8x2048xf32, #tpu.memory_space<hbm>>
    tpu.enqueue_dma source(%arg7 : memref<8x2048xf32, #tpu.memory_space<vmem>>) target(%dma_start3A_590 : memref<8x2048xf32, #tpu.memory_space<hbm>>) target_semaphore(%arg21 : memref<!tpu.dma_semaphore, #tpu.memory_space<semaphore_mem>>)
    %dma_wait3A_591 = arith.constant 240 : i32
    %dma_wait3A_592 = tpu.memref_slice %arg5[%dma_wait3A_591] : memref<256xi32, #tpu.memory_space<vmem>> -> memref<8xi32, #tpu.memory_space<vmem>>
    %dma_wait3A_593 = arith.constant 0 : i32
    %dma_wait3A_594 = arith.constant 0 : i32
    %dma_wait3A_595 = tpu.memref_slice %arg2[%dma_wait3A_593, %dma_wait3A_594] : memref<2048x2048xf32, #tpu.memory_space<hbm>> -> memref<2048x2048xf32, #tpu.memory_space<hbm>>
    tpu.wait_indirect_dma semaphore(%arg15 : memref<!tpu.dma_semaphore, #tpu.memory_space<semaphore_mem>>) src(%dma_wait3A_595 : memref<2048x2048xf32, #tpu.memory_space<hbm>>) dst(%arg8 : memref<8x2048xf32, #tpu.memory_space<vmem>>)
    %add3A_596 = arith.constant 240 : i32
    %add3A_597 = arith.addi %mul3A_2, %add3A_596 : i32
    %dma_start3A_598 = arith.constant 0 : i32
    %dma_start3A_599 = tpu.memref_slice %arg4[%add3A_597, %dma_start3A_598] : memref<8192x2048xf32, #tpu.memory_space<hbm>> -> memref<8x2048xf32, #tpu.memory_space<hbm>>
    %dma_start3A_600 = arith.constant 0 : i32
    %dma_start3A_601 = tpu.memref_slice %arg4[%add3A_597, %dma_start3A_600] : memref<8192x2048xf32, #tpu.memory_space<hbm>> -> memref<8x2048xf32, #tpu.memory_space<hbm>>
    tpu.enqueue_dma source(%arg8 : memref<8x2048xf32, #tpu.memory_space<vmem>>) target(%dma_start3A_601 : memref<8x2048xf32, #tpu.memory_space<hbm>>) target_semaphore(%arg22 : memref<!tpu.dma_semaphore, #tpu.memory_space<semaphore_mem>>)
    %dma_wait3A_602 = arith.constant 248 : i32
    %dma_wait3A_603 = tpu.memref_slice %arg5[%dma_wait3A_602] : memref<256xi32, #tpu.memory_space<vmem>> -> memref<8xi32, #tpu.memory_space<vmem>>
    %dma_wait3A_604 = arith.constant 0 : i32
    %dma_wait3A_605 = arith.constant 0 : i32
    %dma_wait3A_606 = tpu.memref_slice %arg2[%dma_wait3A_604, %dma_wait3A_605] : memref<2048x2048xf32, #tpu.memory_space<hbm>> -> memref<2048x2048xf32, #tpu.memory_space<hbm>>
    tpu.wait_indirect_dma semaphore(%arg16 : memref<!tpu.dma_semaphore, #tpu.memory_space<semaphore_mem>>) src(%dma_wait3A_606 : memref<2048x2048xf32, #tpu.memory_space<hbm>>) dst(%arg9 : memref<8x2048xf32, #tpu.memory_space<vmem>>)
    %add3A_607 = arith.constant 248 : i32
    %add3A_608 = arith.addi %mul3A_2, %add3A_607 : i32
    %dma_start3A_609 = arith.constant 0 : i32
    %dma_start3A_610 = tpu.memref_slice %arg4[%add3A_608, %dma_start3A_609] : memref<8192x2048xf32, #tpu.memory_space<hbm>> -> memref<8x2048xf32, #tpu.memory_space<hbm>>
    %dma_start3A_611 = arith.constant 0 : i32
    %dma_start3A_612 = tpu.memref_slice %arg4[%add3A_608, %dma_start3A_611] : memref<8192x2048xf32, #tpu.memory_space<hbm>> -> memref<8x2048xf32, #tpu.memory_space<hbm>>
    tpu.enqueue_dma source(%arg9 : memref<8x2048xf32, #tpu.memory_space<vmem>>) target(%dma_start3A_612 : memref<8x2048xf32, #tpu.memory_space<hbm>>) target_semaphore(%arg23 : memref<!tpu.dma_semaphore, #tpu.memory_space<semaphore_mem>>)
    %dma_wait3A_613 = arith.constant 0 : i32
    %dma_wait3A_614 = tpu.memref_slice %arg4[%add3A_575, %dma_wait3A_613] : memref<8192x2048xf32, #tpu.memory_space<hbm>> -> memref<8x2048xf32, #tpu.memory_space<hbm>>
    %dma_wait3A_615 = arith.constant 0 : i32
    %dma_wait3A_616 = tpu.memref_slice %arg4[%add3A_575, %dma_wait3A_615] : memref<8192x2048xf32, #tpu.memory_space<hbm>> -> memref<8x2048xf32, #tpu.memory_space<hbm>>
    tpu.wait_dma2 semaphore(%arg20 : memref<!tpu.dma_semaphore, #tpu.memory_space<semaphore_mem>>) src(%arg6 : memref<8x2048xf32, #tpu.memory_space<vmem>>) dst(%dma_wait3A_616 : memref<8x2048xf32, #tpu.memory_space<hbm>>)
    %dma_wait3A_617 = arith.constant 0 : i32
    %dma_wait3A_618 = tpu.memref_slice %arg4[%add3A_586, %dma_wait3A_617] : memref<8192x2048xf32, #tpu.memory_space<hbm>> -> memref<8x2048xf32, #tpu.memory_space<hbm>>
    %dma_wait3A_619 = arith.constant 0 : i32
    %dma_wait3A_620 = tpu.memref_slice %arg4[%add3A_586, %dma_wait3A_619] : memref<8192x2048xf32, #tpu.memory_space<hbm>> -> memref<8x2048xf32, #tpu.memory_space<hbm>>
    tpu.wait_dma2 semaphore(%arg21 : memref<!tpu.dma_semaphore, #tpu.memory_space<semaphore_mem>>) src(%arg7 : memref<8x2048xf32, #tpu.memory_space<vmem>>) dst(%dma_wait3A_620 : memref<8x2048xf32, #tpu.memory_space<hbm>>)
    %dma_wait3A_621 = arith.constant 0 : i32
    %dma_wait3A_622 = tpu.memref_slice %arg4[%add3A_597, %dma_wait3A_621] : memref<8192x2048xf32, #tpu.memory_space<hbm>> -> memref<8x2048xf32, #tpu.memory_space<hbm>>
    %dma_wait3A_623 = arith.constant 0 : i32
    %dma_wait3A_624 = tpu.memref_slice %arg4[%add3A_597, %dma_wait3A_623] : memref<8192x2048xf32, #tpu.memory_space<hbm>> -> memref<8x2048xf32, #tpu.memory_space<hbm>>
    tpu.wait_dma2 semaphore(%arg22 : memref<!tpu.dma_semaphore, #tpu.memory_space<semaphore_mem>>) src(%arg8 : memref<8x2048xf32, #tpu.memory_space<vmem>>) dst(%dma_wait3A_624 : memref<8x2048xf32, #tpu.memory_space<hbm>>)
    %dma_wait3A_625 = arith.constant 0 : i32
    %dma_wait3A_626 = tpu.memref_slice %arg4[%add3A_608, %dma_wait3A_625] : memref<8192x2048xf32, #tpu.memory_space<hbm>> -> memref<8x2048xf32, #tpu.memory_space<hbm>>
    %dma_wait3A_627 = arith.constant 0 : i32
    %dma_wait3A_628 = tpu.memref_slice %arg4[%add3A_608, %dma_wait3A_627] : memref<8192x2048xf32, #tpu.memory_space<hbm>> -> memref<8x2048xf32, #tpu.memory_space<hbm>>
    tpu.wait_dma2 semaphore(%arg23 : memref<!tpu.dma_semaphore, #tpu.memory_space<semaphore_mem>>) src(%arg9 : memref<8x2048xf32, #tpu.memory_space<vmem>>) dst(%dma_wait3A_628 : memref<8x2048xf32, #tpu.memory_space<hbm>>)
    %dma_wait3A_629 = arith.constant 0 : i32
    %dma_wait3A_630 = tpu.memref_slice %arg4[%add3A_542, %dma_wait3A_629] : memref<8192x2048xf32, #tpu.memory_space<hbm>> -> memref<8x2048xf32, #tpu.memory_space<hbm>>
    %dma_wait3A_631 = arith.constant 0 : i32
    %dma_wait3A_632 = tpu.memref_slice %arg4[%add3A_542, %dma_wait3A_631] : memref<8192x2048xf32, #tpu.memory_space<hbm>> -> memref<8x2048xf32, #tpu.memory_space<hbm>>
    tpu.wait_dma2 semaphore(%arg24 : memref<!tpu.dma_semaphore, #tpu.memory_space<semaphore_mem>>) src(%arg10 : memref<8x2048xf32, #tpu.memory_space<vmem>>) dst(%dma_wait3A_632 : memref<8x2048xf32, #tpu.memory_space<hbm>>)
    %dma_wait3A_633 = arith.constant 0 : i32
    %dma_wait3A_634 = tpu.memref_slice %arg4[%add3A_553, %dma_wait3A_633] : memref<8192x2048xf32, #tpu.memory_space<hbm>> -> memref<8x2048xf32, #tpu.memory_space<hbm>>
    %dma_wait3A_635 = arith.constant 0 : i32
    %dma_wait3A_636 = tpu.memref_slice %arg4[%add3A_553, %dma_wait3A_635] : memref<8192x2048xf32, #tpu.memory_space<hbm>> -> memref<8x2048xf32, #tpu.memory_space<hbm>>
    tpu.wait_dma2 semaphore(%arg25 : memref<!tpu.dma_semaphore, #tpu.memory_space<semaphore_mem>>) src(%arg11 : memref<8x2048xf32, #tpu.memory_space<vmem>>) dst(%dma_wait3A_636 : memref<8x2048xf32, #tpu.memory_space<hbm>>)
    %dma_wait3A_637 = arith.constant 0 : i32
    %dma_wait3A_638 = tpu.memref_slice %arg4[%add3A_564, %dma_wait3A_637] : memref<8192x2048xf32, #tpu.memory_space<hbm>> -> memref<8x2048xf32, #tpu.memory_space<hbm>>
    %dma_wait3A_639 = arith.constant 0 : i32
    %dma_wait3A_640 = tpu.memref_slice %arg4[%add3A_564, %dma_wait3A_639] : memref<8192x2048xf32, #tpu.memory_space<hbm>> -> memref<8x2048xf32, #tpu.memory_space<hbm>>
    tpu.wait_dma2 semaphore(%arg26 : memref<!tpu.dma_semaphore, #tpu.memory_space<semaphore_mem>>) src(%arg12 : memref<8x2048xf32, #tpu.memory_space<vmem>>) dst(%dma_wait3A_640 : memref<8x2048xf32, #tpu.memory_space<hbm>>)
    return
  }
}

</mosaic_0001>

<sc_bundles>
// kernel: kernel.3.cloned.1.call-start
scs
__scs_entry_jumppad:
0x0: {  	(pc) =	sbr.rel $0x88, $3  }
0x1: {  	(tag) =	ssettag $0x0;
	lr =	simm.s32 $0x1  }
0x2: {  	[smem:$0x3F9F] =	sst lr;
	_ =	strace $0xD0000000  }
0x3: {  	_ = 	snop  }
0x4: {  	_ = 	snop  }
0x5: {  	_ = 	snop  }
0x6: {  	_ = 	snop  }
0x7: {  	_ = 	snop  }
__scs_overlays_trampoline_lowered:
0x8: {  	[smem:$0x3FAE] =	sst s0  }
0x9: {  	[smem:$0x3FAF] =	sst s1  }
0xa: {  	[smem:$0x3FB0] =	sst s2  }
0xb: {  	[smem:$0x3FB1] =	sst s3  }
0xc: {  	[smem:$0x3FB2] =	sst s4  }
0xd: {  	[smem:$0x3FB3] =	sst s5  }
0xe: {  	[smem:$0x3FB4] =	sst s6  }
0xf: {  	[smem:$0x3FB5] =	sst s7  }
0x10: {  	[smem:$0x3FB6] =	sst s8  }
0x11: {  	[smem:$0x3FB7] =	sst s9;
	s0 =	simm.s32 @!p0 $0x0  }
0x12: {  	s1 =	sld [smem:$0x3F9D];
	s0 =	simm.s32 @p0 $0x1  }
0x13: {  	[smem:$0x3FB8] =	sst s0;
	s0 =	simm.s32 @!p1 $0x0  }
0x14: {  	s2 =	sld [smem:$0x3F9C];
	s0 =	simm.s32 @p1 $0x1  }
0x15: {  	[smem:$0x3FB9] =	sst s0;
	s0 =	simm.s32 @!p2 $0x0  }
0x16: {  	s3 =	sld [smem:$0x3FDB];
	s0 =	simm.s32 @p2 $0x1  }
0x17: {  	s4 =	simm.s32 $0x1BF5;
	[smem:$0x3FBB] =	sst s0  }
0x18: {  	s0 =	sld [smem:$0x3F9E];
	_ =	swait.ge [sflag:s4], $0x0  }
0x19: {  	s7 =	sld [smem:$0x3F9F]  }
0x1a: {  	s8 =	sadd.s32 $0xFFFFE003, lr  }
0x1b: {  	s9 =	sadd.s32 $0xFFFFFEF7, lr;
	s5 =	simm.s32 $0xFFFFFFFF;
	p2 =	slt.u32 s8, $0xFFFFF086  }
0x1c: {  	p1 =	slt.u32 s9, $0xF7A;
	s5 =	simm.s32 @!p2 $0x0  }
0x1d: {  	s5 =	simm.s32 @p1 $0x1;
	p0 =	seq.s32 s7, s2  }
0x1e: {  	s7 =	smul.u32 @!p0 $0xF7A, s2;
	p2 =	seq.s32 @!p0 s5, $0x0  }
0x1f: {  	s9 =	smul.u32 $0xF7A, s1;
	s8 =	simm.s32 @!p0 $0x1BF5;
	p2 =	por !p2, p0  }
0x20: {  	[sflag:s8] =	ssyncset.s32 @!p0 $0xFFFFF086;
	s6 =	sadd.s32 @!p0 s3, s7;
	s7 =	simm.s32 @!p0 $0x108  }
0x21: {  	s3 =	sadd.s32 s3, s9;
	s6 =	sadd.s32 @!p0 $0x88, s6;
	s7 =	simm.s32 @p2 $0x1082  }
0x22: {  	[simem:s7], [sflag:s8] =	dma.local @!p0 [hbm:s6], $0xF7A  }
0x23: {  	s9 =	sor.u32 $0xD0000000, s2;
	s6 =	simm.s32 $0x108;
	_ =	swait.ge @!p0 [sflag:s8], $0x0  }
0x24: {  	s3 =	sadd.s32 $0x88, s3;
	s6 =	simm.s32 @!p1 $0x1082;
	[sflag:s4] =	ssyncset.s32 $0xFFFFF086  }
0x25: {  	[simem:s6], [sflag:s4] =	dma.local [hbm:s3], $0xF7A  }
0x26: {  	[smem:$0x3F9F] =	sst s1;
	(tag) =	ssettag s2;
	_ =	strace s9  }
0x27: {  	s1 =	sld [smem:$0x3FAF]  }
0x28: {  	s2 =	sld [smem:$0x3FB0]  }
0x29: {  	s4 =	sld [smem:$0x3FB2]  }
0x2a: {  	p0 =	seq.s32 s5, $0x0;
	s5 =	sld [smem:$0x3FB3]  }
0x2b: {  	s6 =	sld [smem:$0x3FB4]  }
0x2c: {  	s7 =	sld [smem:$0x3FB5]  }
0x2d: {  	s3 =	simm.s32 $0x108;
	s8 =	sld [smem:$0x3FB6]  }
0x2e: {  	s3 =	simm.s32 @!p0 $0x1082;
	s9 =	sld [smem:$0x3FB7]  }
0x2f: {  	lr =	sadd.s32 s0, s3;
	s0 =	sld [smem:$0x3FAE]  }
0x30: {  	s3 =	sld [smem:$0x3FB1]  }
0x31: {  	[smem:$0x3FBA] =	sst s10  }
0x32: {  	s10 =	sld [smem:$0x3FB8];
	_ =	sdelay $0x3  }
0x33: {  	p0 =	seq.s32 s10, $0x1;
	s10 =	sld [smem:$0x3FBA];
	_ =	sdelay $0x3  }
0x34: {  	[smem:$0x3FBA] =	sst s10  }
0x35: {  	s10 =	sld [smem:$0x3FB9];
	_ =	sdelay $0x3  }
0x36: {  	p1 =	seq.s32 s10, $0x1;
	s10 =	sld [smem:$0x3FBA];
	_ =	sdelay $0x3  }
0x37: {  	[smem:$0x3FBA] =	sst s10  }
0x38: {  	s10 =	sld [smem:$0x3FBB]  }
0x39: {  	_ = 	snop;
	(pc) =	sbr.ind lr, $3  }
0x3a: {  	_ = 	snop  }
0x3b: {  	_ = 	snop  }
0x3c: {  	p2 =	seq.s32 s10, $0x1;
	s10 =	sld [smem:$0x3FBA]  }
0x3d: {  	_ =	shalt  }
0x3e: {  	_ =	shalt  }
0x3f: {  	_ =	shalt  }
0x40: {  	_ =	shalt  }
0x41: {  	_ =	shalt  }
0x42: {  	_ =	shalt  }
0x43: {  	_ =	shalt  }
0x44: {  	_ =	shalt  }
0x45: {  	_ =	shalt  }
0x46: {  	_ =	shalt  }
0x47: {  	_ =	shalt  }
0x48: {  	_ =	shalt  }
0x49: {  	_ =	shalt  }
0x4a: {  	_ =	shalt  }
0x4b: {  	_ =	shalt  }
0x4c: {  	_ =	shalt  }
0x4d: {  	_ =	shalt  }
0x4e: {  	_ =	shalt  }
0x4f: {  	_ =	shalt  }
0x50: {  	_ =	shalt  }
0x51: {  	_ =	shalt  }
0x52: {  	_ =	shalt  }
0x53: {  	_ =	shalt  }
0x54: {  	_ =	shalt  }
0x55: {  	_ =	shalt  }
0x56: {  	_ =	shalt  }
0x57: {  	_ =	shalt  }
0x58: {  	_ =	shalt  }
0x59: {  	_ =	shalt  }
0x5a: {  	_ =	shalt  }
0x5b: {  	_ =	shalt  }
0x5c: {  	_ =	shalt  }
0x5d: {  	_ =	shalt  }
0x5e: {  	_ =	shalt  }
0x5f: {  	_ =	shalt  }
0x60: {  	_ =	shalt  }
0x61: {  	_ =	shalt  }
0x62: {  	_ =	shalt  }
0x63: {  	_ =	shalt  }
0x64: {  	_ =	shalt  }
0x65: {  	_ =	shalt  }
0x66: {  	_ =	shalt  }
0x67: {  	_ =	shalt  }
0x68: {  	_ =	shalt  }
0x69: {  	_ =	shalt  }
0x6a: {  	_ =	shalt  }
0x6b: {  	_ =	shalt  }
0x6c: {  	_ =	shalt  }
0x6d: {  	_ =	shalt  }
0x6e: {  	_ =	shalt  }
0x6f: {  	_ =	shalt  }
0x70: {  	_ =	shalt  }
0x71: {  	_ =	shalt  }
0x72: {  	_ =	shalt  }
0x73: {  	_ =	shalt  }
0x74: {  	_ =	shalt  }
0x75: {  	_ =	shalt  }
0x76: {  	_ =	shalt  }
0x77: {  	_ =	shalt  }
0x78: {  	_ =	shalt  }
0x79: {  	_ =	shalt  }
0x7a: {  	_ =	shalt  }
0x7b: {  	_ =	shalt  }
0x7c: {  	_ =	shalt  }
0x7d: {  	_ =	shalt  }
0x7e: {  	_ =	shalt  }
0x7f: {  	_ =	shalt  }
0x80: {  	_ =	shalt  }
0x81: {  	_ =	shalt  }
0x82: {  	_ =	shalt  }
0x83: {  	_ =	shalt  }
0x84: {  	_ =	shalt  }
0x85: {  	_ =	shalt  }
0x86: {  	_ =	shalt  }
0x87: {  	_ =	shalt  }
.Lfunc_end0:
.L_simem_size_0:
called_computation_lowered:
.L_overlay_start_0:
0x88: {  	s2 =	sld [smem:$0x3FD9]  }
0x89: {  	s3 =	sld [smem:$0x3FFE];
	_ =	sdelay $0x1  }
0x8a: {  	s1 =	srdreg.scid  }
0x8b: {  	s0 =	sand.u32 $0x1, s1  }
0x8c: {  	s17 =	sshll.u32 s0, $0xA;
	s2 =	sadd.s32 s3, s2  }
0x8d: {  	s2 =	sadd.s32 s2, s17  }
0x8e: {  	[smem:$0x3FC6] =	sst s2  }
0x8f: {  	_ = 	snop  }
0x90: {  	s2 =	sld [smem:$0x3FC8]  }
0x91: {  	s18 =	sld [smem:$0x3FD0];
	(tm) =	ssettm $0x1  }
0x92: {  	s4 =	sld [smem:$0x3FFB];
	_ =	sdelay $0x3  }
0x93: {  	_ =	strace s4  }
0x94: {  	s4 =	sld [smem:$0x3FFC];
	_ =	sdelay $0x3  }
0x95: {  	_ =	strace s4  }
0x96: {  	s4 =	sld [smem:$0x3FFD];
	_ =	sdelay $0x3  }
0x97: {  	_ =	strace s4  }
0x98: {  	_ =	strace $0x8FFFFFFF  }
0x99: {  	s19 =	sld [smem:$0x3FDB];
	_ =	sdelay $0x1  }
0x9a: {  	s5 =	simm.s32 $_scs_section_size  }
0x9b: {  	s6 =	simm.s32 $_size__tile_overlayer_lowered;
	s7 =	simm.s32 $_tile_overlayer_lowered  }
0x9c: {  	s22 =	simm.s32 $0x1BFF;
	s21 =	sshll.u32 s7, $0x1;
	s4 =	sadd.s32 s5, s19  }
0x9d: {  	s8 =	simm.s32 $0x0;
	s20 =	sshll.u32 s6, $0x1;
	s6 =	sadd.s32 s21, s4  }
0x9e: {  	[timem:s8], [sflag:s22] =	dma.local [hbm:s6], s20  }
0x9f: {  	_ =	swait.ge [sflag:s22], s20  }
0xa0: {  	s5 =	ssub.s32 $0x0, s20;
	[sflag:s22] =	ssyncset.done $0x0  }
0xa1: {  	[sflag:s22] =	ssyncadd.s32 s5;
	_ =	sdelay $0x1  }
0xa2: {  	s23 =	simm.s32 $0x1B8B  }
0xa3: {  	_ =	swait.ge [sflag:s23], $0x1  }
0xa4: {  	[sflag:s23] =	ssyncset.done $0x0  }
0xa5: {  	s25 =	simm.s32 $0x1B8E;
	s24 =	sld [smem:$0x3FFE];
	[sflag:s23] =	ssyncadd.s32 $0xFFFFFFFF  }
0xa6: {  	s26 =	simm.s32 $execute0_lowered;
	[smem:$0x3FD2] =	sst s25  }
0xa7: {  	s6 =	sshll.u32 s26, $0x1;
	_ =	strace $0x80000046;
	[dreg:$0x1] =	wrdreg $0xFFFFFFFF  }
0xa8: {  	s28 =	simm.s32 $_size_execute0_lowered;
	s4 =	sadd.s32 s4, s6;
	[dreg:$0x0] =	wrdreg $0x0  }
0xa9: {  	s6 =	sshll.u32 s28, $0x1;
	[dreg:$0x2] =	wrdreg s4  }
0xaa: {  	[dreg:$0x3] =	wrdreg s6  }
0xab: {  	[dreg:$0x4] =	wrdreg $0xC0  }
0xac: {  	_ =	task [dreg:s8], $0x5FFFF  }
0xad: {  	[dreg:$0x1] =	wrdreg $0xFFFFFFFF  }
0xae: {  	[dreg:$0x0] =	wrdreg $0x60  }
0xaf: {  	[dreg:$0x2] =	wrdreg s2  }
0xb0: {  	[dreg:$0x3] =	wrdreg s24  }
0xb1: {  	[dreg:$0x4] =	wrdreg s18  }
0xb2: {  	[dreg:$0x5] =	wrdreg $0x9  }
0xb3: {  	_ =	task.clear_ibuf [dreg:s8], $0x6FFFF;
	_ =	strace $0x90000046  }
0xb4: {  	s29 =	simm.s32 $0x9;
	_ =	strace $0x80000048  }
0xb5: {  	_ =	swait.ge [sflag:s29], $0x1  }
0xb6: {  	[sflag:s29] =	ssyncadd.s32 $0xFFFFFFFF  }
0xb7: {  	_ =	strace $0x90000048  }
0xb8: {  	_ =	sfence  }
0xb9: {  	s30 =	sld [smem:$0x0];
	_ =	sdelay $0x2  }
0xba: {  	s31 =	sshll.u32 s1, $0xD;
	s1 =	sshrl.u32 s1, $0x2  }
0xbb: {  	s3 =	sand.u32 $0x4000, s31;
	s1 =	sadd.s32 s1, s30  }
0xbc: {  	s0 =	sor.u32 s3, s0;
	s1 =	sshll.u32 s1, $0x11  }
0xbd: {  	s0 =	sor.u32 s1, s0  }
0xbe: {  	s0 =	sadd.s32 $0x8F2B, s0  }
0xbf: {  	[sflag:s0] =	ssyncadd.remote.s32 $0x1  }
0xc0: {  	_ =	sfence.sel $0xFFFF  }
0xc1: {  	[dreg:$0x0] =	wrdreg $0xFFFFFFFF;
	(pc) =	sbr.abs _section_cstart, $3  }
0xc2: {  	[dreg:$0x1] =	wrdreg $0xFFFFFFFF  }
0xc3: {  	_ =	task.clear_ibuf [dreg:s8], $0x2FFFF;
	_ =	strace $0x9FFFFFFF  }
0xc4: {  	(tm) =	ssettm $0x7FFFFFFF  }
0xc5: {  	_ =	shalt  }
tec
execute0_lowered:
.L_overlay_start_1:
0x0: {  	(tag) =	ssettag $0x1  }
0x1: {  	s0 =	srdreg.scid  }
0x2: {  	s1 =	rddreg [dreg:$0x0];
	s3 =	stileid.u32;
	s0 =	sand.u32 $0x1, s0  }
0x3: {  	s2 =	rddreg [dreg:$0x1];
	s3 =	sshll.u32 s3, $0x9;
	s4 =	sshll.u32 s0, $0x8  }
0x4: {  	s5 =	rddreg [dreg:$0x2];
	s4 =	sor.u32 s4, s3  }
0x5: {  	s3 =	simm.s32 $0x0;
	s6 =	sshrl.u32 s4, $0x3;
	s4 =	sshll.u32 s4, $0x8  }
0x6: {  	[smem:$0x7FF] =	sst s3;
	s2 =	sadd.s32 s6, s2;
	s10 =	sadd.s32 s5, s4  }
0x7: {  	_ =	strace $0x80000047;
	s2 =	sadd.s32 $0x400, s2;
	[smem:$0x7FC] =	sst s10  }
0x8: {  	s25 =	sadd.s32 $0x800, s10;
	[dreg:$0x4] =	wrdreg s2  }
0x9: {  	s26 =	sadd.s32 $0x1000, s10;
	[dreg:$0x5] =	wrdreg s25  }
0xa: {  	s28 =	sadd.s32 $0x1800, s10;
	[dreg:$0x6] =	wrdreg s26  }
0xb: {  	s29 =	sadd.s32 $0x2000, s10;
	[dreg:$0x7] =	wrdreg s28  }
0xc: {  	s30 =	sadd.s32 $0x2800, s10;
	[dreg:$0x8] =	wrdreg s29  }
0xd: {  	s31 =	sadd.s32 $0x3000, s10;
	[dreg:$0x9] =	wrdreg s30  }
0xe: {  	s4 =	sadd.s32 $0x3800, s10;
	[dreg:$0xa] =	wrdreg s31  }
0xf: {  	s5 =	sadd.s32 $0x4000, s10;
	[dreg:$0xb] =	wrdreg s4  }
0x10: {  	s6 =	sadd.s32 $0x4800, s10;
	[dreg:$0xc] =	wrdreg s5  }
0x11: {  	s7 =	sadd.s32 $0x5000, s10;
	[dreg:$0xd] =	wrdreg s6  }
0x12: {  	s8 =	sadd.s32 $0x5800, s10;
	[dreg:$0xe] =	wrdreg s7  }
0x13: {  	s9 =	sadd.s32 $0x6000, s10;
	[dreg:$0xf] =	wrdreg s8  }
0x14: {  	s11 =	sadd.s32 $0x6800, s10;
	[dreg:$0x10] =	wrdreg s9  }
0x15: {  	s12 =	sadd.s32 $0x7000, s10;
	[dreg:$0x11] =	wrdreg s11  }
0x16: {  	s13 =	sadd.s32 $0x7800, s10;
	[dreg:$0x12] =	wrdreg s12  }
0x17: {  	s14 =	sadd.s32 $0x8000, s10;
	[dreg:$0x13] =	wrdreg s13  }
0x18: {  	s15 =	sadd.s32 $0x8800, s10;
	[dreg:$0x14] =	wrdreg s14  }
0x19: {  	s16 =	sadd.s32 $0x9000, s10;
	[dreg:$0x15] =	wrdreg s15  }
0x1a: {  	s17 =	sadd.s32 $0x9800, s10;
	[dreg:$0x16] =	wrdreg s16  }
0x1b: {  	s18 =	sadd.s32 $0xA000, s10;
	[dreg:$0x17] =	wrdreg s17  }
0x1c: {  	s19 =	sadd.s32 $0xA800, s10;
	[dreg:$0x18] =	wrdreg s18  }
0x1d: {  	s20 =	sadd.s32 $0xB000, s10;
	[dreg:$0x19] =	wrdreg s19  }
0x1e: {  	s21 =	sadd.s32 $0xB800, s10;
	[dreg:$0x1a] =	wrdreg s20  }
0x1f: {  	s0 =	ssub.s32 $0x2, s0;
	s22 =	sadd.s32 $0xC000, s10;
	[dreg:$0x1b] =	wrdreg s21  }
0x20: {  	s23 =	sshrl.u32 s0, $0x1;
	s24 =	sadd.s32 $0xC800, s10;
	[dreg:$0x1c] =	wrdreg s22  }
0x21: {  	s0 =	ssub.s32 s0, s23;
	[dreg:$0x1d] =	wrdreg s24;
	s25 =	sadd.s32 $0xD000, s10  }
0x22: {  	s5 =	sadd.s32 $0x100, s1;
	s26 =	sadd.s32 $0xD800, s10;
	s6 =	sadd.s32 $0x200, s1  }
0x23: {  	s28 =	sadd.s32 $0xE000, s10;
	s7 =	sadd.s32 $0x300, s1;
	s29 =	sadd.s32 $0xE800, s10  }
0x24: {  	s8 =	sadd.s32 $0x400, s1;
	s30 =	sadd.s32 $0xF000, s10;
	s9 =	sadd.s32 $0x500, s1  }
0x25: {  	s31 =	sadd.s32 $0xF800, s10;
	s10 =	sadd.s32 $0x600, s1;
	[dreg:$0x1e] =	wrdreg s25  }
0x26: {  	s11 =	sadd.s32 $0x700, s1;
	s14 =	smax.u32 s0, $0x1;
	[dreg:$0x1f] =	wrdreg s26  }
0x27: {  	s2 =	simm.s32 $0x1;
	s0 =	simm.s32 $0x8;
	[smem:$0x7F9] =	sst s28  }
0x28: {  	v0 =	vlaneseq.u32;
	s13 =	simm.s32 $0x2;
	s4 =	simm.s32 $0x9;
	[smem:$0x7FA] =	sst s29  }
0x29: {  	v1 =	vshrl.u32 v0, $0x3;
	s15 =	simm.s32 $0x3;
	s16 =	simm.s32 $0xA;
	[smem:$0x7FB] =	sst s30  }
0x2a: {  	vm0 =	vmmov $0xffff;
	v0 =	vand.u32 $0x7, v0;
	v1 =	vmul.u32 $0x8, v1;
	s17 =	simm.s32 $0x4;
	s19 =	simm.s32 $0xB;
	[smem:$0x7FD] =	sst s31  }
.LBB2_1:
0x2b: {  	[smem:$0x7F8] =	sst s14  }
0x2c: {  	s28 =	rddreg [dreg:$0x4];
	s18 =	simm.s32 $0xF  }
0x2d: {  	[tilespmem:s3], [sflag:$0xF] =	stream.linear.gather [hbm4b:s28+s3], $0x100, $0x38;
	[tilespmem:$0x1C100] =	vst v63  }
0x2e: {  	_ =	swait.ge [sflag:s18], $0x100  }
0x2f: {  	[sflag:s18] =	ssyncset.done $0x0  }
0x30: {  	[sflag:s18] =	ssyncadd.s32 $0xFFFFFF00  }
0x31: {  	v2 =	vld.msk [tilespmem:$0x0], $0xff;
	_ =	sdelay $0x4  }
0x32: {  	v3 =	vshll.u32 v2, $0x4  }
0x33: {  	v2 =	vand.u32 $0x7, v2;
	v3 =	vand.u32 $0xFFFFFF80, v3  }
0x34: {  	v2 =	vor.u32 v2, v3  }
0x35: {  	v2 =	vperm.xlane v2, v0;
	_ =	sdelay $0x1  }
0x36: {  	v2 =	vadd.s32 v1, v2;
	_ =	sdelay $0x3  }
0x37: {  	s20 =	simm.s32 $0x100  }
0x38: {  	[tilespmem:s20], [sflag:$0x1] =	stream.indirect_vreg.gather [hbm4b:s1+s3], $0x80, v2, vm0, $0xb8;
	[tilespmem:$0x1C100] =	vst v63  }
0x39: {  	s21 =	simm.s32 $0x900  }
0x3a: {  	[tilespmem:s21], [sflag:$0x1] =	stream.indirect_vreg.gather [hbm4b:s5+s3], $0x80, v2, vm0, $0xb8;
	[tilespmem:$0x1C100] =	vst v63  }
0x3b: {  	s22 =	simm.s32 $0x1100  }
0x3c: {  	[tilespmem:s22], [sflag:$0x1] =	stream.indirect_vreg.gather [hbm4b:s6+s3], $0x80, v2, vm0, $0xb8;
	[tilespmem:$0x1C100] =	vst v63  }
0x3d: {  	s23 =	simm.s32 $0x1900  }
0x3e: {  	[tilespmem:s23], [sflag:$0x1] =	stream.indirect_vreg.gather [hbm4b:s7+s3], $0x80, v2, vm0, $0xb8;
	[tilespmem:$0x1C100] =	vst v63  }
0x3f: {  	s24 =	simm.s32 $0x2100  }
0x40: {  	[tilespmem:s24], [sflag:$0x1] =	stream.indirect_vreg.gather [hbm4b:s8+s3], $0x80, v2, vm0, $0xb8;
	[tilespmem:$0x1C100] =	vst v63  }
0x41: {  	s25 =	simm.s32 $0x2900  }
0x42: {  	[tilespmem:s25], [sflag:$0x1] =	stream.indirect_vreg.gather [hbm4b:s9+s3], $0x80, v2, vm0, $0xb8;
	[tilespmem:$0x1C100] =	vst v63  }
0x43: {  	s26 =	simm.s32 $0x3100  }
0x44: {  	[tilespmem:s26], [sflag:$0x1] =	stream.indirect_vreg.gather [hbm4b:s10+s3], $0x80, v2, vm0, $0xb8;
	[tilespmem:$0x1C100] =	vst v63  }
0x45: {  	s28 =	simm.s32 $0x3900  }
0x46: {  	[tilespmem:s28], [sflag:$0x1] =	stream.indirect_vreg.gather [hbm4b:s11+s3], $0x80, v2, vm0, $0xb8;
	[tilespmem:$0x1C100] =	vst v63  }
0x47: {  	v2 =	vld.msk [tilespmem:$0x8], $0xff;
	_ =	sdelay $0x4  }
0x48: {  	v3 =	vshll.u32 v2, $0x4  }
0x49: {  	v2 =	vand.u32 $0x7, v2;
	v3 =	vand.u32 $0xFFFFFF80, v3  }
0x4a: {  	v2 =	vor.u32 v2, v3  }
0x4b: {  	v2 =	vperm.xlane v2, v0;
	_ =	sdelay $0x1  }
0x4c: {  	v2 =	vadd.s32 v1, v2;
	_ =	sdelay $0x3  }
0x4d: {  	s29 =	simm.s32 $0x4100  }
0x4e: {  	[tilespmem:s29], [sflag:$0x2] =	stream.indirect_vreg.gather [hbm4b:s1+s3], $0x80, v2, vm0, $0xb8;
	[tilespmem:$0x1C100] =	vst v63  }
0x4f: {  	s31 =	simm.s32 $0x4900  }
0x50: {  	[tilespmem:s31], [sflag:$0x2] =	stream.indirect_vreg.gather [hbm4b:s5+s3], $0x80, v2, vm0, $0xb8;
	[tilespmem:$0x1C100] =	vst v63  }
0x51: {  	s12 =	simm.s32 $0x5100  }
0x52: {  	[tilespmem:s12], [sflag:$0x2] =	stream.indirect_vreg.gather [hbm4b:s6+s3], $0x80, v2, vm0, $0xb8;
	[tilespmem:$0x1C100] =	vst v63  }
0x53: {  	s18 =	simm.s32 $0x5900  }
0x54: {  	[tilespmem:s18], [sflag:$0x2] =	stream.indirect_vreg.gather [hbm4b:s7+s3], $0x80, v2, vm0, $0xb8;
	[tilespmem:$0x1C100] =	vst v63  }
0x55: {  	s20 =	simm.s32 $0x6100  }
0x56: {  	[tilespmem:s20], [sflag:$0x2] =	stream.indirect_vreg.gather [hbm4b:s8+s3], $0x80, v2, vm0, $0xb8;
	[tilespmem:$0x1C100] =	vst v63  }
0x57: {  	s26 =	simm.s32 $0x6900  }
0x58: {  	[tilespmem:s26], [sflag:$0x2] =	stream.indirect_vreg.gather [hbm4b:s9+s3], $0x80, v2, vm0, $0xb8;
	[tilespmem:$0x1C100] =	vst v63  }
0x59: {  	s28 =	simm.s32 $0x7100  }
0x5a: {  	[tilespmem:s28], [sflag:$0x2] =	stream.indirect_vreg.gather [hbm4b:s10+s3], $0x80, v2, vm0, $0xb8;
	[tilespmem:$0x1C100] =	vst v63  }
0x5b: {  	s29 =	simm.s32 $0x7900  }
0x5c: {  	[tilespmem:s29], [sflag:$0x2] =	stream.indirect_vreg.gather [hbm4b:s11+s3], $0x80, v2, vm0, $0xb8;
	[tilespmem:$0x1C100] =	vst v63  }
0x5d: {  	v2 =	vld.msk [tilespmem:$0x10], $0xff;
	_ =	sdelay $0x4  }
0x5e: {  	v3 =	vshll.u32 v2, $0x4  }
0x5f: {  	v2 =	vand.u32 $0x7, v2;
	v3 =	vand.u32 $0xFFFFFF80, v3  }
0x60: {  	v2 =	vor.u32 v2, v3  }
0x61: {  	v2 =	vperm.xlane v2, v0;
	_ =	sdelay $0x1  }
0x62: {  	v2 =	vadd.s32 v1, v2;
	_ =	sdelay $0x3  }
0x63: {  	s12 =	simm.s32 $0x8100  }
0x64: {  	[tilespmem:s12], [sflag:$0x3] =	stream.indirect_vreg.gather [hbm4b:s1+s3], $0x80, v2, vm0, $0xb8;
	[tilespmem:$0x1C100] =	vst v63  }
0x65: {  	s31 =	simm.s32 $0x8900  }
0x66: {  	[tilespmem:s31], [sflag:$0x3] =	stream.indirect_vreg.gather [hbm4b:s5+s3], $0x80, v2, vm0, $0xb8;
	[tilespmem:$0x1C100] =	vst v63  }
0x67: {  	s12 =	simm.s32 $0x9100  }
0x68: {  	[tilespmem:s12], [sflag:$0x3] =	stream.indirect_vreg.gather [hbm4b:s6+s3], $0x80, v2, vm0, $0xb8;
	[tilespmem:$0x1C100] =	vst v63  }
0x69: {  	s18 =	simm.s32 $0x9900  }
0x6a: {  	[tilespmem:s18], [sflag:$0x3] =	stream.indirect_vreg.gather [hbm4b:s7+s3], $0x80, v2, vm0, $0xb8;
	[tilespmem:$0x1C100] =	vst v63  }
0x6b: {  	s20 =	simm.s32 $0xA100  }
0x6c: {  	[tilespmem:s20], [sflag:$0x3] =	stream.indirect_vreg.gather [hbm4b:s8+s3], $0x80, v2, vm0, $0xb8;
	[tilespmem:$0x1C100] =	vst v63  }
0x6d: {  	s26 =	simm.s32 $0xA900  }
0x6e: {  	[tilespmem:s26], [sflag:$0x3] =	stream.indirect_vreg.gather [hbm4b:s9+s3], $0x80, v2, vm0, $0xb8;
	[tilespmem:$0x1C100] =	vst v63  }
0x6f: {  	s28 =	simm.s32 $0xB100  }
0x70: {  	[tilespmem:s28], [sflag:$0x3] =	stream.indirect_vreg.gather [hbm4b:s10+s3], $0x80, v2, vm0, $0xb8;
	[tilespmem:$0x1C100] =	vst v63  }
0x71: {  	s29 =	simm.s32 $0xB900  }
0x72: {  	[tilespmem:s29], [sflag:$0x3] =	stream.indirect_vreg.gather [hbm4b:s11+s3], $0x80, v2, vm0, $0xb8;
	[tilespmem:$0x1C100] =	vst v63  }
0x73: {  	v2 =	vld.msk [tilespmem:$0x18], $0xff;
	_ =	sdelay $0x4  }
0x74: {  	v3 =	vshll.u32 v2, $0x4  }
0x75: {  	v2 =	vand.u32 $0x7, v2;
	v3 =	vand.u32 $0xFFFFFF80, v3  }
0x76: {  	v2 =	vor.u32 v2, v3  }
0x77: {  	v2 =	vperm.xlane v2, v0;
	_ =	sdelay $0x1  }
0x78: {  	v2 =	vadd.s32 v1, v2;
	_ =	sdelay $0x3  }
0x79: {  	s31 =	simm.s32 $0xC100  }
0x7a: {  	[tilespmem:s31], [sflag:$0x4] =	stream.indirect_vreg.gather [hbm4b:s1+s3], $0x80, v2, vm0, $0xb8;
	[tilespmem:$0x1C100] =	vst v63  }
0x7b: {  	s12 =	simm.s32 $0xC900  }
0x7c: {  	[tilespmem:s12], [sflag:$0x4] =	stream.indirect_vreg.gather [hbm4b:s5+s3], $0x80, v2, vm0, $0xb8;
	[tilespmem:$0x1C100] =	vst v63  }
0x7d: {  	s14 =	simm.s32 $0xD100  }
0x7e: {  	[tilespmem:s14], [sflag:$0x4] =	stream.indirect_vreg.gather [hbm4b:s6+s3], $0x80, v2, vm0, $0xb8;
	[tilespmem:$0x1C100] =	vst v63  }
0x7f: {  	s18 =	simm.s32 $0xD900  }
0x80: {  	[tilespmem:s18], [sflag:$0x4] =	stream.indirect_vreg.gather [hbm4b:s7+s3], $0x80, v2, vm0, $0xb8;
	[tilespmem:$0x1C100] =	vst v63  }
0x81: {  	s20 =	simm.s32 $0xE100  }
0x82: {  	[tilespmem:s20], [sflag:$0x4] =	stream.indirect_vreg.gather [hbm4b:s8+s3], $0x80, v2, vm0, $0xb8;
	[tilespmem:$0x1C100] =	vst v63  }
0x83: {  	s26 =	simm.s32 $0xE900  }
0x84: {  	[tilespmem:s26], [sflag:$0x4] =	stream.indirect_vreg.gather [hbm4b:s9+s3], $0x80, v2, vm0, $0xb8;
	[tilespmem:$0x1C100] =	vst v63  }
0x85: {  	s29 =	simm.s32 $0xF100  }
0x86: {  	[tilespmem:s29], [sflag:$0x4] =	stream.indirect_vreg.gather [hbm4b:s10+s3], $0x80, v2, vm0, $0xb8;
	[tilespmem:$0x1C100] =	vst v63  }
0x87: {  	s12 =	simm.s32 $0xF900  }
0x88: {  	[tilespmem:s12], [sflag:$0x4] =	stream.indirect_vreg.gather [hbm4b:s11+s3], $0x80, v2, vm0, $0xb8;
	[tilespmem:$0x1C100] =	vst v63  }
0x89: {  	v2 =	vld.msk [tilespmem:$0x20], $0xff;
	_ =	sdelay $0x4  }
0x8a: {  	v3 =	vshll.u32 v2, $0x4  }
0x8b: {  	v2 =	vand.u32 $0x7, v2;
	v3 =	vand.u32 $0xFFFFFF80, v3  }
0x8c: {  	v2 =	vor.u32 v2, v3  }
0x8d: {  	v2 =	vperm.xlane v2, v0;
	_ =	sdelay $0x1  }
0x8e: {  	v2 =	vadd.s32 v1, v2;
	_ =	sdelay $0x3  }
0x8f: {  	s14 =	simm.s32 $0x10100  }
0x90: {  	[tilespmem:s14], [sflag:$0x5] =	stream.indirect_vreg.gather [hbm4b:s1+s3], $0x80, v2, vm0, $0xb8;
	[tilespmem:$0x1C100] =	vst v63  }
0x91: {  	s18 =	simm.s32 $0x10900  }
0x92: {  	[tilespmem:s18], [sflag:$0x5] =	stream.indirect_vreg.gather [hbm4b:s5+s3], $0x80, v2, vm0, $0xb8;
	[tilespmem:$0x1C100] =	vst v63  }
0x93: {  	s20 =	simm.s32 $0x11100  }
0x94: {  	[tilespmem:s20], [sflag:$0x5] =	stream.indirect_vreg.gather [hbm4b:s6+s3], $0x80, v2, vm0, $0xb8;
	[tilespmem:$0x1C100] =	vst v63  }
0x95: {  	s26 =	simm.s32 $0x11900  }
0x96: {  	[tilespmem:s26], [sflag:$0x5] =	stream.indirect_vreg.gather [hbm4b:s7+s3], $0x80, v2, vm0, $0xb8;
	[tilespmem:$0x1C100] =	vst v63  }
0x97: {  	s28 =	simm.s32 $0x12100  }
0x98: {  	[tilespmem:s28], [sflag:$0x5] =	stream.indirect_vreg.gather [hbm4b:s8+s3], $0x80, v2, vm0, $0xb8;
	[tilespmem:$0x1C100] =	vst v63  }
0x99: {  	s29 =	simm.s32 $0x12900  }
0x9a: {  	[tilespmem:s29], [sflag:$0x5] =	stream.indirect_vreg.gather [hbm4b:s9+s3], $0x80, v2, vm0, $0xb8;
	[tilespmem:$0x1C100] =	vst v63  }
0x9b: {  	s18 =	simm.s32 $0x13100  }
0x9c: {  	[tilespmem:s18], [sflag:$0x5] =	stream.indirect_vreg.gather [hbm4b:s10+s3], $0x80, v2, vm0, $0xb8;
	[tilespmem:$0x1C100] =	vst v63  }
0x9d: {  	s20 =	simm.s32 $0x13900  }
0x9e: {  	[tilespmem:s20], [sflag:$0x5] =	stream.indirect_vreg.gather [hbm4b:s11+s3], $0x80, v2, vm0, $0xb8;
	[tilespmem:$0x1C100] =	vst v63  }
0x9f: {  	v2 =	vld.msk [tilespmem:$0x28], $0xff;
	_ =	sdelay $0x4  }
0xa0: {  	v3 =	vshll.u32 v2, $0x4  }
0xa1: {  	v2 =	vand.u32 $0x7, v2;
	v3 =	vand.u32 $0xFFFFFF80, v3  }
0xa2: {  	v2 =	vor.u32 v2, v3  }
0xa3: {  	v2 =	vperm.xlane v2, v0;
	_ =	sdelay $0x1  }
0xa4: {  	v2 =	vadd.s32 v1, v2;
	_ =	sdelay $0x3  }
0xa5: {  	s20 =	simm.s32 $0x14100  }
0xa6: {  	[tilespmem:s20], [sflag:$0x6] =	stream.indirect_vreg.gather [hbm4b:s1+s3], $0x80, v2, vm0, $0xb8;
	[tilespmem:$0x1C100] =	vst v63  }
0xa7: {  	s26 =	simm.s32 $0x14900  }
0xa8: {  	[tilespmem:s26], [sflag:$0x6] =	stream.indirect_vreg.gather [hbm4b:s5+s3], $0x80, v2, vm0, $0xb8;
	[tilespmem:$0x1C100] =	vst v63  }
0xa9: {  	s28 =	simm.s32 $0x15100  }
0xaa: {  	[tilespmem:s28], [sflag:$0x6] =	stream.indirect_vreg.gather [hbm4b:s6+s3], $0x80, v2, vm0, $0xb8;
	[tilespmem:$0x1C100] =	vst v63  }
0xab: {  	s29 =	simm.s32 $0x15900  }
0xac: {  	[tilespmem:s29], [sflag:$0x6] =	stream.indirect_vreg.gather [hbm4b:s7+s3], $0x80, v2, vm0, $0xb8;
	[tilespmem:$0x1C100] =	vst v63  }
0xad: {  	s20 =	simm.s32 $0x16100  }
0xae: {  	[tilespmem:s20], [sflag:$0x6] =	stream.indirect_vreg.gather [hbm4b:s8+s3], $0x80, v2, vm0, $0xb8;
	[tilespmem:$0x1C100] =	vst v63  }
0xaf: {  	s28 =	simm.s32 $0x16900  }
0xb0: {  	[tilespmem:s28], [sflag:$0x6] =	stream.indirect_vreg.gather [hbm4b:s9+s3], $0x80, v2, vm0, $0xb8;
	[tilespmem:$0x1C100] =	vst v63  }
0xb1: {  	s20 =	simm.s32 $0x17100  }
0xb2: {  	[tilespmem:s20], [sflag:$0x6] =	stream.indirect_vreg.gather [hbm4b:s10+s3], $0x80, v2, vm0, $0xb8;
	[tilespmem:$0x1C100] =	vst v63  }
0xb3: {  	s28 =	simm.s32 $0x17900  }
0xb4: {  	[tilespmem:s28], [sflag:$0x6] =	stream.indirect_vreg.gather [hbm4b:s11+s3], $0x80, v2, vm0, $0xb8;
	[tilespmem:$0x1C100] =	vst v63  }
0xb5: {  	v2 =	vld.msk [tilespmem:$0x30], $0xff;
	_ =	sdelay $0x4  }
0xb6: {  	v3 =	vshll.u32 v2, $0x4  }
0xb7: {  	v2 =	vand.u32 $0x7, v2;
	v3 =	vand.u32 $0xFFFFFF80, v3  }
0xb8: {  	v2 =	vor.u32 v2, v3  }
0xb9: {  	v2 =	vperm.xlane v2, v0;
	_ =	sdelay $0x1  }
0xba: {  	v2 =	vadd.s32 v1, v2;
	_ =	sdelay $0x3  }
0xbb: {  	s12 =	simm.s32 $0x18100  }
0xbc: {  	[tilespmem:s12], [sflag:$0x7] =	stream.indirect_vreg.gather [hbm4b:s1+s3], $0x80, v2, vm0, $0xb8;
	[tilespmem:$0x1C100] =	vst v63  }
0xbd: {  	s28 =	simm.s32 $0x18900  }
0xbe: {  	[tilespmem:s28], [sflag:$0x7] =	stream.indirect_vreg.gather [hbm4b:s5+s3], $0x80, v2, vm0, $0xb8;
	[tilespmem:$0x1C100] =	vst v63  }
0xbf: {  	s12 =	simm.s32 $0x19100  }
0xc0: {  	[tilespmem:s12], [sflag:$0x7] =	stream.indirect_vreg.gather [hbm4b:s6+s3], $0x80, v2, vm0, $0xb8;
	[tilespmem:$0x1C100] =	vst v63  }
0xc1: {  	s28 =	simm.s32 $0x19900  }
0xc2: {  	[tilespmem:s28], [sflag:$0x7] =	stream.indirect_vreg.gather [hbm4b:s7+s3], $0x80, v2, vm0, $0xb8;
	[tilespmem:$0x1C100] =	vst v63  }
0xc3: {  	s12 =	simm.s32 $0x1A100  }
0xc4: {  	[tilespmem:s12], [sflag:$0x7] =	stream.indirect_vreg.gather [hbm4b:s8+s3], $0x80, v2, vm0, $0xb8;
	[tilespmem:$0x1C100] =	vst v63  }
0xc5: {  	s28 =	simm.s32 $0x1A900  }
0xc6: {  	[tilespmem:s28], [sflag:$0x7] =	stream.indirect_vreg.gather [hbm4b:s9+s3], $0x80, v2, vm0, $0xb8;
	[tilespmem:$0x1C100] =	vst v63  }
0xc7: {  	s12 =	simm.s32 $0x1B100  }
0xc8: {  	[tilespmem:s12], [sflag:$0x7] =	stream.indirect_vreg.gather [hbm4b:s10+s3], $0x80, v2, vm0, $0xb8;
	[tilespmem:$0x1C100] =	vst v63  }
0xc9: {  	s28 =	simm.s32 $0x1B900  }
0xca: {  	[tilespmem:s28], [sflag:$0x7] =	stream.indirect_vreg.gather [hbm4b:s11+s3], $0x80, v2, vm0, $0xb8;
	[tilespmem:$0x1C100] =	vst v63  }
0xcb: {  	_ =	swait.ge [sflag:s2], $0x4000  }
0xcc: {  	s12 =	sld [smem:$0x7FC]  }
0xcd: {  	[sflag:s2] =	ssyncset.done $0x0  }
0xce: {  	s20 =	simm.s32 $0x100;
	[sflag:s2] =	ssyncadd.s32 $0xFFFFC000  }
0xcf: {  	[hbm4b:s12+s3] =	stream.linear.scatter [tilespmem:s20], [sflag:$0x8], $0x4000, $0x38;
	[tilespmem:$0x1C100] =	vst v63  }
0xd0: {  	_ =	swait.ge [sflag:s0], $0x4000  }
0xd1: {  	[sflag:s0] =	ssyncset.done $0x0  }
0xd2: {  	[sflag:s0] =	ssyncadd.s32 $0xFFFFC000  }
0xd3: {  	v2 =	vld.msk [tilespmem:$0x38], $0xff;
	_ =	sdelay $0x4  }
0xd4: {  	v3 =	vshll.u32 v2, $0x4  }
0xd5: {  	v2 =	vand.u32 $0x7, v2;
	v3 =	vand.u32 $0xFFFFFF80, v3  }
0xd6: {  	v2 =	vor.u32 v2, v3  }
0xd7: {  	v2 =	vperm.xlane v2, v0;
	_ =	sdelay $0x1  }
0xd8: {  	v2 =	vadd.s32 v1, v2;
	_ =	sdelay $0x4  }
0xd9: {  	[tilespmem:s20], [sflag:$0x1] =	stream.indirect_vreg.gather [hbm4b:s1+s3], $0x80, v2, vm0, $0xb8;
	[tilespmem:$0x1C100] =	vst v63  }
0xda: {  	s20 =	simm.s32 $0x900  }
0xdb: {  	[tilespmem:s20], [sflag:$0x1] =	stream.indirect_vreg.gather [hbm4b:s5+s3], $0x80, v2, vm0, $0xb8;
	[tilespmem:$0x1C100] =	vst v63  }
0xdc: {  	s22 =	simm.s32 $0x1100  }
0xdd: {  	[tilespmem:s22], [sflag:$0x1] =	stream.indirect_vreg.gather [hbm4b:s6+s3], $0x80, v2, vm0, $0xb8;
	[tilespmem:$0x1C100] =	vst v63  }
0xde: {  	s23 =	simm.s32 $0x1900  }
0xdf: {  	[tilespmem:s23], [sflag:$0x1] =	stream.indirect_vreg.gather [hbm4b:s7+s3], $0x80, v2, vm0, $0xb8;
	[tilespmem:$0x1C100] =	vst v63  }
0xe0: {  	s24 =	simm.s32 $0x2100  }
0xe1: {  	[tilespmem:s24], [sflag:$0x1] =	stream.indirect_vreg.gather [hbm4b:s8+s3], $0x80, v2, vm0, $0xb8;
	[tilespmem:$0x1C100] =	vst v63  }
0xe2: {  	s25 =	simm.s32 $0x2900  }
0xe3: {  	[tilespmem:s25], [sflag:$0x1] =	stream.indirect_vreg.gather [hbm4b:s9+s3], $0x80, v2, vm0, $0xb8;
	[tilespmem:$0x1C100] =	vst v63  }
0xe4: {  	s30 =	simm.s32 $0x3100  }
0xe5: {  	[tilespmem:s30], [sflag:$0x1] =	stream.indirect_vreg.gather [hbm4b:s10+s3], $0x80, v2, vm0, $0xb8;
	[tilespmem:$0x1C100] =	vst v63  }
0xe6: {  	s21 =	simm.s32 $0x3900  }
0xe7: {  	[tilespmem:s21], [sflag:$0x1] =	stream.indirect_vreg.gather [hbm4b:s11+s3], $0x80, v2, vm0, $0xb8;
	[tilespmem:$0x1C100] =	vst v63  }
0xe8: {  	_ =	swait.ge [sflag:s13], $0x4000  }
0xe9: {  	[sflag:s13] =	ssyncset.done $0x0  }
0xea: {  	s22 =	simm.s32 $0x4100;
	s21 =	rddreg [dreg:$0x5];
	[sflag:s13] =	ssyncadd.s32 $0xFFFFC000  }
0xeb: {  	[hbm4b:s21+s3] =	stream.linear.scatter [tilespmem:s22], [sflag:$0x9], $0x4000, $0x38;
	[tilespmem:$0x1C100] =	vst v63  }
0xec: {  	_ =	swait.ge [sflag:s4], $0x4000  }
0xed: {  	[sflag:s4] =	ssyncset.done $0x0  }
0xee: {  	[sflag:s4] =	ssyncadd.s32 $0xFFFFC000  }
0xef: {  	v2 =	vld.msk [tilespmem:$0x40], $0xff;
	_ =	sdelay $0x4  }
0xf0: {  	v3 =	vshll.u32 v2, $0x4  }
0xf1: {  	v2 =	vand.u32 $0x7, v2;
	v3 =	vand.u32 $0xFFFFFF80, v3  }
0xf2: {  	v2 =	vor.u32 v2, v3  }
0xf3: {  	v2 =	vperm.xlane v2, v0;
	_ =	sdelay $0x1  }
0xf4: {  	v2 =	vadd.s32 v1, v2;
	_ =	sdelay $0x4  }
0xf5: {  	[tilespmem:s22], [sflag:$0x2] =	stream.indirect_vreg.gather [hbm4b:s1+s3], $0x80, v2, vm0, $0xb8;
	[tilespmem:$0x1C100] =	vst v63  }
0xf6: {  	s23 =	simm.s32 $0x4900  }
0xf7: {  	[tilespmem:s23], [sflag:$0x2] =	stream.indirect_vreg.gather [hbm4b:s5+s3], $0x80, v2, vm0, $0xb8;
	[tilespmem:$0x1C100] =	vst v63  }
0xf8: {  	s24 =	simm.s32 $0x5100  }
0xf9: {  	[tilespmem:s24], [sflag:$0x2] =	stream.indirect_vreg.gather [hbm4b:s6+s3], $0x80, v2, vm0, $0xb8;
	[tilespmem:$0x1C100] =	vst v63  }
0xfa: {  	s25 =	simm.s32 $0x5900  }
0xfb: {  	[tilespmem:s25], [sflag:$0x2] =	stream.indirect_vreg.gather [hbm4b:s7+s3], $0x80, v2, vm0, $0xb8;
	[tilespmem:$0x1C100] =	vst v63  }
0xfc: {  	s28 =	simm.s32 $0x6100  }
0xfd: {  	[tilespmem:s28], [sflag:$0x2] =	stream.indirect_vreg.gather [hbm4b:s8+s3], $0x80, v2, vm0, $0xb8;
	[tilespmem:$0x1C100] =	vst v63  }
0xfe: {  	s30 =	simm.s32 $0x6900  }
0xff: {  	[tilespmem:s30], [sflag:$0x2] =	stream.indirect_vreg.gather [hbm4b:s9+s3], $0x80, v2, vm0, $0xb8;
	[tilespmem:$0x1C100] =	vst v63  }
0x100: {  	s20 =	simm.s32 $0x7100  }
0x101: {  	[tilespmem:s20], [sflag:$0x2] =	stream.indirect_vreg.gather [hbm4b:s10+s3], $0x80, v2, vm0, $0xb8;
	[tilespmem:$0x1C100] =	vst v63  }
0x102: {  	s21 =	simm.s32 $0x7900  }
0x103: {  	[tilespmem:s21], [sflag:$0x2] =	stream.indirect_vreg.gather [hbm4b:s11+s3], $0x80, v2, vm0, $0xb8;
	[tilespmem:$0x1C100] =	vst v63  }
0x104: {  	_ =	swait.ge [sflag:s15], $0x4000  }
0x105: {  	[sflag:s15] =	ssyncset.done $0x0  }
0x106: {  	s23 =	simm.s32 $0x8100;
	s22 =	rddreg [dreg:$0x6];
	[sflag:s15] =	ssyncadd.s32 $0xFFFFC000  }
0x107: {  	[hbm4b:s22+s3] =	stream.linear.scatter [tilespmem:s23], [sflag:$0xA], $0x4000, $0x38;
	[tilespmem:$0x1C100] =	vst v63  }
0x108: {  	_ =	swait.ge [sflag:s16], $0x4000  }
0x109: {  	[sflag:s16] =	ssyncset.done $0x0  }
0x10a: {  	[sflag:s16] =	ssyncadd.s32 $0xFFFFC000  }
0x10b: {  	v2 =	vld.msk [tilespmem:$0x48], $0xff;
	_ =	sdelay $0x4  }
0x10c: {  	v3 =	vshll.u32 v2, $0x4  }
0x10d: {  	v2 =	vand.u32 $0x7, v2;
	v3 =	vand.u32 $0xFFFFFF80, v3  }
0x10e: {  	v2 =	vor.u32 v2, v3  }
0x10f: {  	v2 =	vperm.xlane v2, v0;
	_ =	sdelay $0x1  }
0x110: {  	v2 =	vadd.s32 v1, v2;
	_ =	sdelay $0x4  }
0x111: {  	[tilespmem:s23], [sflag:$0x3] =	stream.indirect_vreg.gather [hbm4b:s1+s3], $0x80, v2, vm0, $0xb8;
	[tilespmem:$0x1C100] =	vst v63  }
0x112: {  	s24 =	simm.s32 $0x8900  }
0x113: {  	[tilespmem:s24], [sflag:$0x3] =	stream.indirect_vreg.gather [hbm4b:s5+s3], $0x80, v2, vm0, $0xb8;
	[tilespmem:$0x1C100] =	vst v63  }
0x114: {  	s20 =	simm.s32 $0x9100  }
0x115: {  	[tilespmem:s20], [sflag:$0x3] =	stream.indirect_vreg.gather [hbm4b:s6+s3], $0x80, v2, vm0, $0xb8;
	[tilespmem:$0x1C100] =	vst v63  }
0x116: {  	s22 =	simm.s32 $0x9900  }
0x117: {  	[tilespmem:s22], [sflag:$0x3] =	stream.indirect_vreg.gather [hbm4b:s7+s3], $0x80, v2, vm0, $0xb8;
	[tilespmem:$0x1C100] =	vst v63  }
0x118: {  	s25 =	simm.s32 $0xA100  }
0x119: {  	[tilespmem:s25], [sflag:$0x3] =	stream.indirect_vreg.gather [hbm4b:s8+s3], $0x80, v2, vm0, $0xb8;
	[tilespmem:$0x1C100] =	vst v63  }
0x11a: {  	s28 =	simm.s32 $0xA900  }
0x11b: {  	[tilespmem:s28], [sflag:$0x3] =	stream.indirect_vreg.gather [hbm4b:s9+s3], $0x80, v2, vm0, $0xb8;
	[tilespmem:$0x1C100] =	vst v63  }
0x11c: {  	s30 =	simm.s32 $0xB100  }
0x11d: {  	[tilespmem:s30], [sflag:$0x3] =	stream.indirect_vreg.gather [hbm4b:s10+s3], $0x80, v2, vm0, $0xb8;
	[tilespmem:$0x1C100] =	vst v63  }
0x11e: {  	s21 =	simm.s32 $0xB900  }
0x11f: {  	[tilespmem:s21], [sflag:$0x3] =	stream.indirect_vreg.gather [hbm4b:s11+s3], $0x80, v2, vm0, $0xb8;
	[tilespmem:$0x1C100] =	vst v63  }
0x120: {  	_ =	swait.ge [sflag:s17], $0x4000  }
0x121: {  	[sflag:s17] =	ssyncset.done $0x0  }
0x122: {  	s24 =	simm.s32 $0xC100;
	s23 =	rddreg [dreg:$0x7];
	[sflag:s17] =	ssyncadd.s32 $0xFFFFC000  }
0x123: {  	[hbm4b:s23+s3] =	stream.linear.scatter [tilespmem:s24], [sflag:$0xB], $0x4000, $0x38;
	[tilespmem:$0x1C100] =	vst v63  }
0x124: {  	_ =	swait.ge [sflag:s19], $0x4000  }
0x125: {  	[sflag:s19] =	ssyncset.done $0x0  }
0x126: {  	[sflag:s19] =	ssyncadd.s32 $0xFFFFC000  }
0x127: {  	v2 =	vld.msk [tilespmem:$0x50], $0xff;
	_ =	sdelay $0x4  }
0x128: {  	v3 =	vshll.u32 v2, $0x4  }
0x129: {  	v2 =	vand.u32 $0x7, v2;
	v3 =	vand.u32 $0xFFFFFF80, v3  }
0x12a: {  	v2 =	vor.u32 v2, v3  }
0x12b: {  	v2 =	vperm.xlane v2, v0;
	_ =	sdelay $0x1  }
0x12c: {  	v2 =	vadd.s32 v1, v2;
	_ =	sdelay $0x4  }
0x12d: {  	[tilespmem:s24], [sflag:$0x4] =	stream.indirect_vreg.gather [hbm4b:s1+s3], $0x80, v2, vm0, $0xb8;
	[tilespmem:$0x1C100] =	vst v63  }
0x12e: {  	s31 =	simm.s32 $0xC900  }
0x12f: {  	[tilespmem:s31], [sflag:$0x4] =	stream.indirect_vreg.gather [hbm4b:s5+s3], $0x80, v2, vm0, $0xb8;
	[tilespmem:$0x1C100] =	vst v63  }
0x130: {  	s25 =	simm.s32 $0xD100  }
0x131: {  	[tilespmem:s25], [sflag:$0x4] =	stream.indirect_vreg.gather [hbm4b:s6+s3], $0x80, v2, vm0, $0xb8;
	[tilespmem:$0x1C100] =	vst v63  }
0x132: {  	s28 =	simm.s32 $0xD900  }
0x133: {  	[tilespmem:s28], [sflag:$0x4] =	stream.indirect_vreg.gather [hbm4b:s7+s3], $0x80, v2, vm0, $0xb8;
	[tilespmem:$0x1C100] =	vst v63  }
0x134: {  	s30 =	simm.s32 $0xE100  }
0x135: {  	[tilespmem:s30], [sflag:$0x4] =	stream.indirect_vreg.gather [hbm4b:s8+s3], $0x80, v2, vm0, $0xb8;
	[tilespmem:$0x1C100] =	vst v63  }
0x136: {  	s31 =	simm.s32 $0xE900  }
0x137: {  	[tilespmem:s31], [sflag:$0x4] =	stream.indirect_vreg.gather [hbm4b:s9+s3], $0x80, v2, vm0, $0xb8;
	[tilespmem:$0x1C100] =	vst v63  }
0x138: {  	s21 =	simm.s32 $0xF100  }
0x139: {  	[tilespmem:s21], [sflag:$0x4] =	stream.indirect_vreg.gather [hbm4b:s10+s3], $0x80, v2, vm0, $0xb8;
	[tilespmem:$0x1C100] =	vst v63  }
0x13a: {  	s23 =	simm.s32 $0xF900;
	s21 =	simm.s32 $0x5  }
0x13b: {  	[tilespmem:s23], [sflag:$0x4] =	stream.indirect_vreg.gather [hbm4b:s11+s3], $0x80, v2, vm0, $0xb8;
	[tilespmem:$0x1C100] =	vst v63  }
0x13c: {  	_ =	swait.ge [sflag:s21], $0x4000  }
0x13d: {  	s25 =	simm.s32 $0x10100;
	[sflag:s21] =	ssyncset.done $0x0  }
0x13e: {  	s23 =	simm.s32 $0xC;
	s24 =	rddreg [dreg:$0x8];
	[sflag:s21] =	ssyncadd.s32 $0xFFFFC000  }
0x13f: {  	[hbm4b:s24+s3] =	stream.linear.scatter [tilespmem:s25], [sflag:$0xC], $0x4000, $0x38;
	[tilespmem:$0x1C100] =	vst v63  }
0x140: {  	_ =	swait.ge [sflag:s23], $0x4000  }
0x141: {  	[sflag:s23] =	ssyncset.done $0x0  }
0x142: {  	[sflag:s23] =	ssyncadd.s32 $0xFFFFC000  }
0x143: {  	v2 =	vld.msk [tilespmem:$0x58], $0xff;
	_ =	sdelay $0x4  }
0x144: {  	v3 =	vshll.u32 v2, $0x4  }
0x145: {  	v2 =	vand.u32 $0x7, v2;
	v3 =	vand.u32 $0xFFFFFF80, v3  }
0x146: {  	v2 =	vor.u32 v2, v3  }
0x147: {  	v2 =	vperm.xlane v2, v0;
	_ =	sdelay $0x1  }
0x148: {  	v2 =	vadd.s32 v1, v2;
	_ =	sdelay $0x4  }
0x149: {  	[tilespmem:s25], [sflag:$0x5] =	stream.indirect_vreg.gather [hbm4b:s1+s3], $0x80, v2, vm0, $0xb8;
	[tilespmem:$0x1C100] =	vst v63  }
0x14a: {  	s14 =	simm.s32 $0x10900  }
0x14b: {  	[tilespmem:s14], [sflag:$0x5] =	stream.indirect_vreg.gather [hbm4b:s5+s3], $0x80, v2, vm0, $0xb8;
	[tilespmem:$0x1C100] =	vst v63  }
0x14c: {  	s30 =	simm.s32 $0x11100  }
0x14d: {  	[tilespmem:s30], [sflag:$0x5] =	stream.indirect_vreg.gather [hbm4b:s6+s3], $0x80, v2, vm0, $0xb8;
	[tilespmem:$0x1C100] =	vst v63  }
0x14e: {  	s14 =	simm.s32 $0x11900  }
0x14f: {  	[tilespmem:s14], [sflag:$0x5] =	stream.indirect_vreg.gather [hbm4b:s7+s3], $0x80, v2, vm0, $0xb8;
	[tilespmem:$0x1C100] =	vst v63  }
0x150: {  	s24 =	simm.s32 $0x12100  }
0x151: {  	[tilespmem:s24], [sflag:$0x5] =	stream.indirect_vreg.gather [hbm4b:s8+s3], $0x80, v2, vm0, $0xb8;
	[tilespmem:$0x1C100] =	vst v63  }
0x152: {  	s25 =	simm.s32 $0x12900  }
0x153: {  	[tilespmem:s25], [sflag:$0x5] =	stream.indirect_vreg.gather [hbm4b:s9+s3], $0x80, v2, vm0, $0xb8;
	[tilespmem:$0x1C100] =	vst v63  }
0x154: {  	s28 =	simm.s32 $0x13100  }
0x155: {  	[tilespmem:s28], [sflag:$0x5] =	stream.indirect_vreg.gather [hbm4b:s10+s3], $0x80, v2, vm0, $0xb8;
	[tilespmem:$0x1C100] =	vst v63  }
0x156: {  	s30 =	simm.s32 $0x13900;
	s24 =	simm.s32 $0x6  }
0x157: {  	[tilespmem:s30], [sflag:$0x5] =	stream.indirect_vreg.gather [hbm4b:s11+s3], $0x80, v2, vm0, $0xb8;
	[tilespmem:$0x1C100] =	vst v63  }
0x158: {  	_ =	swait.ge [sflag:s24], $0x4000  }
0x159: {  	s14 =	simm.s32 $0x14100;
	[sflag:s24] =	ssyncset.done $0x0  }
0x15a: {  	s25 =	simm.s32 $0xD;
	s12 =	rddreg [dreg:$0x9];
	[sflag:s24] =	ssyncadd.s32 $0xFFFFC000  }
0x15b: {  	[hbm4b:s12+s3] =	stream.linear.scatter [tilespmem:s14], [sflag:$0xD], $0x4000, $0x38;
	[tilespmem:$0x1C100] =	vst v63  }
0x15c: {  	_ =	swait.ge [sflag:s25], $0x4000  }
0x15d: {  	[sflag:s25] =	ssyncset.done $0x0  }
0x15e: {  	[sflag:s25] =	ssyncadd.s32 $0xFFFFC000  }
0x15f: {  	v2 =	vld.msk [tilespmem:$0x60], $0xff;
	_ =	sdelay $0x4  }
0x160: {  	v3 =	vshll.u32 v2, $0x4  }
0x161: {  	v2 =	vand.u32 $0x7, v2;
	v3 =	vand.u32 $0xFFFFFF80, v3  }
0x162: {  	v2 =	vor.u32 v2, v3  }
0x163: {  	v2 =	vperm.xlane v2, v0;
	_ =	sdelay $0x1  }
0x164: {  	v2 =	vadd.s32 v1, v2;
	_ =	sdelay $0x4  }
0x165: {  	[tilespmem:s14], [sflag:$0x6] =	stream.indirect_vreg.gather [hbm4b:s1+s3], $0x80, v2, vm0, $0xb8;
	[tilespmem:$0x1C100] =	vst v63  }
0x166: {  	s26 =	simm.s32 $0x14900  }
0x167: {  	[tilespmem:s26], [sflag:$0x6] =	stream.indirect_vreg.gather [hbm4b:s5+s3], $0x80, v2, vm0, $0xb8;
	[tilespmem:$0x1C100] =	vst v63  }
0x168: {  	s18 =	simm.s32 $0x15100  }
0x169: {  	[tilespmem:s18], [sflag:$0x6] =	stream.indirect_vreg.gather [hbm4b:s6+s3], $0x80, v2, vm0, $0xb8;
	[tilespmem:$0x1C100] =	vst v63  }
0x16a: {  	s29 =	simm.s32 $0x15900  }
0x16b: {  	[tilespmem:s29], [sflag:$0x6] =	stream.indirect_vreg.gather [hbm4b:s7+s3], $0x80, v2, vm0, $0xb8;
	[tilespmem:$0x1C100] =	vst v63  }
0x16c: {  	s30 =	simm.s32 $0x16100  }
0x16d: {  	[tilespmem:s30], [sflag:$0x6] =	stream.indirect_vreg.gather [hbm4b:s8+s3], $0x80, v2, vm0, $0xb8;
	[tilespmem:$0x1C100] =	vst v63  }
0x16e: {  	s18 =	simm.s32 $0x16900  }
0x16f: {  	[tilespmem:s18], [sflag:$0x6] =	stream.indirect_vreg.gather [hbm4b:s9+s3], $0x80, v2, vm0, $0xb8;
	[tilespmem:$0x1C100] =	vst v63  }
0x170: {  	s26 =	simm.s32 $0x17100  }
0x171: {  	[tilespmem:s26], [sflag:$0x6] =	stream.indirect_vreg.gather [hbm4b:s10+s3], $0x80, v2, vm0, $0xb8;
	[tilespmem:$0x1C100] =	vst v63  }
0x172: {  	s28 =	simm.s32 $0x17900;
	s26 =	simm.s32 $0x7  }
0x173: {  	[tilespmem:s28], [sflag:$0x6] =	stream.indirect_vreg.gather [hbm4b:s11+s3], $0x80, v2, vm0, $0xb8;
	[tilespmem:$0x1C100] =	vst v63  }
0x174: {  	_ =	swait.ge [sflag:s26], $0x4000  }
0x175: {  	s12 =	simm.s32 $0xE;
	[sflag:s26] =	ssyncset.done $0x0  }
0x176: {  	s30 =	simm.s32 $0x18100;
	s29 =	rddreg [dreg:$0xa];
	[sflag:s26] =	ssyncadd.s32 $0xFFFFC000  }
0x177: {  	[hbm4b:s29+s3] =	stream.linear.scatter [tilespmem:s30], [sflag:$0xE], $0x4000, $0x38;
	[tilespmem:$0x1C100] =	vst v63  }
0x178: {  	_ =	swait.ge [sflag:s12], $0x4000  }
0x179: {  	[sflag:s12] =	ssyncset.done $0x0  }
0x17a: {  	[sflag:s12] =	ssyncadd.s32 $0xFFFFC000  }
0x17b: {  	v2 =	vld.msk [tilespmem:$0x68], $0xff;
	_ =	sdelay $0x4  }
0x17c: {  	v3 =	vshll.u32 v2, $0x4  }
0x17d: {  	v2 =	vand.u32 $0x7, v2;
	v3 =	vand.u32 $0xFFFFFF80, v3  }
0x17e: {  	v2 =	vor.u32 v2, v3  }
0x17f: {  	v2 =	vperm.xlane v2, v0;
	_ =	sdelay $0x1  }
0x180: {  	v2 =	vadd.s32 v1, v2;
	_ =	sdelay $0x4  }
0x181: {  	[tilespmem:s30], [sflag:$0x7] =	stream.indirect_vreg.gather [hbm4b:s1+s3], $0x80, v2, vm0, $0xb8;
	[tilespmem:$0x1C100] =	vst v63  }
0x182: {  	s29 =	simm.s32 $0x18900  }
0x183: {  	[tilespmem:s29], [sflag:$0x7] =	stream.indirect_vreg.gather [hbm4b:s5+s3], $0x80, v2, vm0, $0xb8;
	[tilespmem:$0x1C100] =	vst v63  }
0x184: {  	s30 =	simm.s32 $0x19100  }
0x185: {  	[tilespmem:s30], [sflag:$0x7] =	stream.indirect_vreg.gather [hbm4b:s6+s3], $0x80, v2, vm0, $0xb8;
	[tilespmem:$0x1C100] =	vst v63  }
0x186: {  	s18 =	simm.s32 $0x19900  }
0x187: {  	[tilespmem:s18], [sflag:$0x7] =	stream.indirect_vreg.gather [hbm4b:s7+s3], $0x80, v2, vm0, $0xb8;
	[tilespmem:$0x1C100] =	vst v63  }
0x188: {  	s29 =	simm.s32 $0x1A100  }
0x189: {  	[tilespmem:s29], [sflag:$0x7] =	stream.indirect_vreg.gather [hbm4b:s8+s3], $0x80, v2, vm0, $0xb8;
	[tilespmem:$0x1C100] =	vst v63  }
0x18a: {  	s30 =	simm.s32 $0x1A900  }
0x18b: {  	[tilespmem:s30], [sflag:$0x7] =	stream.indirect_vreg.gather [hbm4b:s9+s3], $0x80, v2, vm0, $0xb8;
	[tilespmem:$0x1C100] =	vst v63  }
0x18c: {  	s18 =	simm.s32 $0x1B100  }
0x18d: {  	[tilespmem:s18], [sflag:$0x7] =	stream.indirect_vreg.gather [hbm4b:s10+s3], $0x80, v2, vm0, $0xb8;
	[tilespmem:$0x1C100] =	vst v63  }
0x18e: {  	s28 =	simm.s32 $0x1B900  }
0x18f: {  	[tilespmem:s28], [sflag:$0x7] =	stream.indirect_vreg.gather [hbm4b:s11+s3], $0x80, v2, vm0, $0xb8;
	[tilespmem:$0x1C100] =	vst v63  }
0x190: {  	_ =	swait.ge [sflag:s2], $0x4000  }
0x191: {  	[sflag:s2] =	ssyncset.done $0x0  }
0x192: {  	s30 =	simm.s32 $0x100;
	s29 =	rddreg [dreg:$0xb];
	[sflag:s2] =	ssyncadd.s32 $0xFFFFC000  }
0x193: {  	[hbm4b:s29+s3] =	stream.linear.scatter [tilespmem:s30], [sflag:$0x8], $0x4000, $0x38;
	[tilespmem:$0x1C100] =	vst v63  }
0x194: {  	_ =	swait.ge [sflag:s0], $0x4000  }
0x195: {  	[sflag:s0] =	ssyncset.done $0x0  }
0x196: {  	[sflag:s0] =	ssyncadd.s32 $0xFFFFC000  }
0x197: {  	v2 =	vld.msk [tilespmem:$0x70], $0xff;
	_ =	sdelay $0x4  }
0x198: {  	v3 =	vshll.u32 v2, $0x4  }
0x199: {  	v2 =	vand.u32 $0x7, v2;
	v3 =	vand.u32 $0xFFFFFF80, v3  }
0x19a: {  	v2 =	vor.u32 v2, v3  }
0x19b: {  	v2 =	vperm.xlane v2, v0;
	_ =	sdelay $0x1  }
0x19c: {  	v2 =	vadd.s32 v1, v2;
	_ =	sdelay $0x4  }
0x19d: {  	[tilespmem:s30], [sflag:$0x1] =	stream.indirect_vreg.gather [hbm4b:s1+s3], $0x80, v2, vm0, $0xb8;
	[tilespmem:$0x1C100] =	vst v63  }
0x19e: {  	s29 =	simm.s32 $0x900  }
0x19f: {  	[tilespmem:s29], [sflag:$0x1] =	stream.indirect_vreg.gather [hbm4b:s5+s3], $0x80, v2, vm0, $0xb8;
	[tilespmem:$0x1C100] =	vst v63  }
0x1a0: {  	s28 =	simm.s32 $0x1100  }
0x1a1: {  	[tilespmem:s28], [sflag:$0x1] =	stream.indirect_vreg.gather [hbm4b:s6+s3], $0x80, v2, vm0, $0xb8;
	[tilespmem:$0x1C100] =	vst v63  }
0x1a2: {  	s29 =	simm.s32 $0x1900  }
0x1a3: {  	[tilespmem:s29], [sflag:$0x1] =	stream.indirect_vreg.gather [hbm4b:s7+s3], $0x80, v2, vm0, $0xb8;
	[tilespmem:$0x1C100] =	vst v63  }
0x1a4: {  	s28 =	simm.s32 $0x2100  }
0x1a5: {  	[tilespmem:s28], [sflag:$0x1] =	stream.indirect_vreg.gather [hbm4b:s8+s3], $0x80, v2, vm0, $0xb8;
	[tilespmem:$0x1C100] =	vst v63  }
0x1a6: {  	s29 =	simm.s32 $0x2900  }
0x1a7: {  	[tilespmem:s29], [sflag:$0x1] =	stream.indirect_vreg.gather [hbm4b:s9+s3], $0x80, v2, vm0, $0xb8;
	[tilespmem:$0x1C100] =	vst v63  }
0x1a8: {  	s28 =	simm.s32 $0x3100  }
0x1a9: {  	[tilespmem:s28], [sflag:$0x1] =	stream.indirect_vreg.gather [hbm4b:s10+s3], $0x80, v2, vm0, $0xb8;
	[tilespmem:$0x1C100] =	vst v63  }
0x1aa: {  	s29 =	simm.s32 $0x3900  }
0x1ab: {  	[tilespmem:s29], [sflag:$0x1] =	stream.indirect_vreg.gather [hbm4b:s11+s3], $0x80, v2, vm0, $0xb8;
	[tilespmem:$0x1C100] =	vst v63  }
0x1ac: {  	_ =	swait.ge [sflag:s13], $0x4000  }
0x1ad: {  	[sflag:s13] =	ssyncset.done $0x0  }
0x1ae: {  	s29 =	simm.s32 $0x4100;
	s18 =	rddreg [dreg:$0xc];
	[sflag:s13] =	ssyncadd.s32 $0xFFFFC000  }
0x1af: {  	[hbm4b:s18+s3] =	stream.linear.scatter [tilespmem:s29], [sflag:$0x9], $0x4000, $0x38;
	[tilespmem:$0x1C100] =	vst v63  }
0x1b0: {  	_ =	swait.ge [sflag:s4], $0x4000  }
0x1b1: {  	[sflag:s4] =	ssyncset.done $0x0  }
0x1b2: {  	[sflag:s4] =	ssyncadd.s32 $0xFFFFC000  }
0x1b3: {  	v2 =	vld.msk [tilespmem:$0x78], $0xff;
	_ =	sdelay $0x4  }
0x1b4: {  	v3 =	vshll.u32 v2, $0x4  }
0x1b5: {  	v2 =	vand.u32 $0x7, v2;
	v3 =	vand.u32 $0xFFFFFF80, v3  }
0x1b6: {  	v2 =	vor.u32 v2, v3  }
0x1b7: {  	v2 =	vperm.xlane v2, v0;
	_ =	sdelay $0x1  }
0x1b8: {  	v2 =	vadd.s32 v1, v2;
	_ =	sdelay $0x4  }
0x1b9: {  	[tilespmem:s29], [sflag:$0x2] =	stream.indirect_vreg.gather [hbm4b:s1+s3], $0x80, v2, vm0, $0xb8;
	[tilespmem:$0x1C100] =	vst v63  }
0x1ba: {  	s28 =	simm.s32 $0x4900  }
0x1bb: {  	[tilespmem:s28], [sflag:$0x2] =	stream.indirect_vreg.gather [hbm4b:s5+s3], $0x80, v2, vm0, $0xb8;
	[tilespmem:$0x1C100] =	vst v63  }
0x1bc: {  	s28 =	simm.s32 $0x5100  }
0x1bd: {  	[tilespmem:s28], [sflag:$0x2] =	stream.indirect_vreg.gather [hbm4b:s6+s3], $0x80, v2, vm0, $0xb8;
	[tilespmem:$0x1C100] =	vst v63  }
0x1be: {  	s28 =	simm.s32 $0x5900  }
0x1bf: {  	[tilespmem:s28], [sflag:$0x2] =	stream.indirect_vreg.gather [hbm4b:s7+s3], $0x80, v2, vm0, $0xb8;
	[tilespmem:$0x1C100] =	vst v63  }
0x1c0: {  	s28 =	simm.s32 $0x6100  }
0x1c1: {  	[tilespmem:s28], [sflag:$0x2] =	stream.indirect_vreg.gather [hbm4b:s8+s3], $0x80, v2, vm0, $0xb8;
	[tilespmem:$0x1C100] =	vst v63  }
0x1c2: {  	s28 =	simm.s32 $0x6900  }
0x1c3: {  	[tilespmem:s28], [sflag:$0x2] =	stream.indirect_vreg.gather [hbm4b:s9+s3], $0x80, v2, vm0, $0xb8;
	[tilespmem:$0x1C100] =	vst v63  }
0x1c4: {  	s28 =	simm.s32 $0x7100  }
0x1c5: {  	[tilespmem:s28], [sflag:$0x2] =	stream.indirect_vreg.gather [hbm4b:s10+s3], $0x80, v2, vm0, $0xb8;
	[tilespmem:$0x1C100] =	vst v63  }
0x1c6: {  	s28 =	simm.s32 $0x7900  }
0x1c7: {  	[tilespmem:s28], [sflag:$0x2] =	stream.indirect_vreg.gather [hbm4b:s11+s3], $0x80, v2, vm0, $0xb8;
	[tilespmem:$0x1C100] =	vst v63  }
0x1c8: {  	_ =	swait.ge [sflag:s15], $0x4000  }
0x1c9: {  	[sflag:s15] =	ssyncset.done $0x0  }
0x1ca: {  	s18 =	simm.s32 $0x8100;
	s28 =	rddreg [dreg:$0xd];
	[sflag:s15] =	ssyncadd.s32 $0xFFFFC000  }
0x1cb: {  	[hbm4b:s28+s3] =	stream.linear.scatter [tilespmem:s18], [sflag:$0xA], $0x4000, $0x38;
	[tilespmem:$0x1C100] =	vst v63  }
0x1cc: {  	_ =	swait.ge [sflag:s16], $0x4000  }
0x1cd: {  	[sflag:s16] =	ssyncset.done $0x0  }
0x1ce: {  	[sflag:s16] =	ssyncadd.s32 $0xFFFFC000  }
0x1cf: {  	v2 =	vld.msk [tilespmem:$0x80], $0xff;
	_ =	sdelay $0x4  }
0x1d0: {  	v3 =	vshll.u32 v2, $0x4  }
0x1d1: {  	v2 =	vand.u32 $0x7, v2;
	v3 =	vand.u32 $0xFFFFFF80, v3  }
0x1d2: {  	v2 =	vor.u32 v2, v3  }
0x1d3: {  	v2 =	vperm.xlane v2, v0;
	_ =	sdelay $0x1  }
0x1d4: {  	v2 =	vadd.s32 v1, v2;
	_ =	sdelay $0x4  }
0x1d5: {  	[tilespmem:s18], [sflag:$0x3] =	stream.indirect_vreg.gather [hbm4b:s1+s3], $0x80, v2, vm0, $0xb8;
	[tilespmem:$0x1C100] =	vst v63  }
0x1d6: {  	s28 =	simm.s32 $0x8900  }
0x1d7: {  	[tilespmem:s28], [sflag:$0x3] =	stream.indirect_vreg.gather [hbm4b:s5+s3], $0x80, v2, vm0, $0xb8;
	[tilespmem:$0x1C100] =	vst v63  }
0x1d8: {  	_ = 	snop  }
0x1d9: {  	[tilespmem:s20], [sflag:$0x3] =	stream.indirect_vreg.gather [hbm4b:s6+s3], $0x80, v2, vm0, $0xb8;
	[tilespmem:$0x1C100] =	vst v63  }
0x1da: {  	_ = 	snop  }
0x1db: {  	[tilespmem:s22], [sflag:$0x3] =	stream.indirect_vreg.gather [hbm4b:s7+s3], $0x80, v2, vm0, $0xb8;
	[tilespmem:$0x1C100] =	vst v63  }
0x1dc: {  	s22 =	simm.s32 $0xA100  }
0x1dd: {  	[tilespmem:s22], [sflag:$0x3] =	stream.indirect_vreg.gather [hbm4b:s8+s3], $0x80, v2, vm0, $0xb8;
	[tilespmem:$0x1C100] =	vst v63  }
0x1de: {  	s28 =	simm.s32 $0xA900  }
0x1df: {  	[tilespmem:s28], [sflag:$0x3] =	stream.indirect_vreg.gather [hbm4b:s9+s3], $0x80, v2, vm0, $0xb8;
	[tilespmem:$0x1C100] =	vst v63  }
0x1e0: {  	s22 =	simm.s32 $0xB100  }
0x1e1: {  	[tilespmem:s22], [sflag:$0x3] =	stream.indirect_vreg.gather [hbm4b:s10+s3], $0x80, v2, vm0, $0xb8;
	[tilespmem:$0x1C100] =	vst v63  }
0x1e2: {  	s28 =	simm.s32 $0xB900  }
0x1e3: {  	[tilespmem:s28], [sflag:$0x3] =	stream.indirect_vreg.gather [hbm4b:s11+s3], $0x80, v2, vm0, $0xb8;
	[tilespmem:$0x1C100] =	vst v63  }
0x1e4: {  	_ =	swait.ge [sflag:s17], $0x4000  }
0x1e5: {  	[sflag:s17] =	ssyncset.done $0x0  }
0x1e6: {  	s22 =	simm.s32 $0xC100;
	s20 =	rddreg [dreg:$0xe];
	[sflag:s17] =	ssyncadd.s32 $0xFFFFC000  }
0x1e7: {  	[hbm4b:s20+s3] =	stream.linear.scatter [tilespmem:s22], [sflag:$0xB], $0x4000, $0x38;
	[tilespmem:$0x1C100] =	vst v63  }
0x1e8: {  	_ =	swait.ge [sflag:s19], $0x4000  }
0x1e9: {  	[sflag:s19] =	ssyncset.done $0x0  }
0x1ea: {  	[sflag:s19] =	ssyncadd.s32 $0xFFFFC000  }
0x1eb: {  	v2 =	vld.msk [tilespmem:$0x88], $0xff;
	_ =	sdelay $0x4  }
0x1ec: {  	v3 =	vshll.u32 v2, $0x4  }
0x1ed: {  	v2 =	vand.u32 $0x7, v2;
	v3 =	vand.u32 $0xFFFFFF80, v3  }
0x1ee: {  	v2 =	vor.u32 v2, v3  }
0x1ef: {  	v2 =	vperm.xlane v2, v0;
	_ =	sdelay $0x1  }
0x1f0: {  	v2 =	vadd.s32 v1, v2;
	_ =	sdelay $0x4  }
0x1f1: {  	[tilespmem:s22], [sflag:$0x4] =	stream.indirect_vreg.gather [hbm4b:s1+s3], $0x80, v2, vm0, $0xb8;
	[tilespmem:$0x1C100] =	vst v63  }
0x1f2: {  	s28 =	simm.s32 $0xC900  }
0x1f3: {  	[tilespmem:s28], [sflag:$0x4] =	stream.indirect_vreg.gather [hbm4b:s5+s3], $0x80, v2, vm0, $0xb8;
	[tilespmem:$0x1C100] =	vst v63  }
0x1f4: {  	s22 =	simm.s32 $0xD100  }
0x1f5: {  	[tilespmem:s22], [sflag:$0x4] =	stream.indirect_vreg.gather [hbm4b:s6+s3], $0x80, v2, vm0, $0xb8;
	[tilespmem:$0x1C100] =	vst v63  }
0x1f6: {  	s28 =	simm.s32 $0xD900  }
0x1f7: {  	[tilespmem:s28], [sflag:$0x4] =	stream.indirect_vreg.gather [hbm4b:s7+s3], $0x80, v2, vm0, $0xb8;
	[tilespmem:$0x1C100] =	vst v63  }
0x1f8: {  	s28 =	simm.s32 $0xE100  }
0x1f9: {  	[tilespmem:s28], [sflag:$0x4] =	stream.indirect_vreg.gather [hbm4b:s8+s3], $0x80, v2, vm0, $0xb8;
	[tilespmem:$0x1C100] =	vst v63  }
0x1fa: {  	s28 =	simm.s32 $0xE900  }
0x1fb: {  	[tilespmem:s28], [sflag:$0x4] =	stream.indirect_vreg.gather [hbm4b:s9+s3], $0x80, v2, vm0, $0xb8;
	[tilespmem:$0x1C100] =	vst v63  }
0x1fc: {  	s28 =	simm.s32 $0xF100  }
0x1fd: {  	[tilespmem:s28], [sflag:$0x4] =	stream.indirect_vreg.gather [hbm4b:s10+s3], $0x80, v2, vm0, $0xb8;
	[tilespmem:$0x1C100] =	vst v63  }
0x1fe: {  	s28 =	simm.s32 $0xF900  }
0x1ff: {  	[tilespmem:s28], [sflag:$0x4] =	stream.indirect_vreg.gather [hbm4b:s11+s3], $0x80, v2, vm0, $0xb8;
	[tilespmem:$0x1C100] =	vst v63  }
0x200: {  	_ =	swait.ge [sflag:s21], $0x4000  }
0x201: {  	[sflag:s21] =	ssyncset.done $0x0  }
0x202: {  	s31 =	simm.s32 $0x10100;
	s28 =	rddreg [dreg:$0xf];
	[sflag:s21] =	ssyncadd.s32 $0xFFFFC000  }
0x203: {  	[hbm4b:s28+s3] =	stream.linear.scatter [tilespmem:s31], [sflag:$0xC], $0x4000, $0x38;
	[tilespmem:$0x1C100] =	vst v63  }
0x204: {  	_ =	swait.ge [sflag:s23], $0x4000  }
0x205: {  	[sflag:s23] =	ssyncset.done $0x0  }
0x206: {  	[sflag:s23] =	ssyncadd.s32 $0xFFFFC000  }
0x207: {  	v2 =	vld.msk [tilespmem:$0x90], $0xff;
	_ =	sdelay $0x4  }
0x208: {  	v3 =	vshll.u32 v2, $0x4  }
0x209: {  	v2 =	vand.u32 $0x7, v2;
	v3 =	vand.u32 $0xFFFFFF80, v3  }
0x20a: {  	v2 =	vor.u32 v2, v3  }
0x20b: {  	v2 =	vperm.xlane v2, v0;
	_ =	sdelay $0x1  }
0x20c: {  	v2 =	vadd.s32 v1, v2;
	_ =	sdelay $0x4  }
0x20d: {  	[tilespmem:s31], [sflag:$0x5] =	stream.indirect_vreg.gather [hbm4b:s1+s3], $0x80, v2, vm0, $0xb8;
	[tilespmem:$0x1C100] =	vst v63  }
0x20e: {  	s31 =	simm.s32 $0x10900  }
0x20f: {  	[tilespmem:s31], [sflag:$0x5] =	stream.indirect_vreg.gather [hbm4b:s5+s3], $0x80, v2, vm0, $0xb8;
	[tilespmem:$0x1C100] =	vst v63  }
0x210: {  	s31 =	simm.s32 $0x11100  }
0x211: {  	[tilespmem:s31], [sflag:$0x5] =	stream.indirect_vreg.gather [hbm4b:s6+s3], $0x80, v2, vm0, $0xb8;
	[tilespmem:$0x1C100] =	vst v63  }
0x212: {  	s31 =	simm.s32 $0x11900  }
0x213: {  	[tilespmem:s31], [sflag:$0x5] =	stream.indirect_vreg.gather [hbm4b:s7+s3], $0x80, v2, vm0, $0xb8;
	[tilespmem:$0x1C100] =	vst v63  }
0x214: {  	s31 =	simm.s32 $0x12100  }
0x215: {  	[tilespmem:s31], [sflag:$0x5] =	stream.indirect_vreg.gather [hbm4b:s8+s3], $0x80, v2, vm0, $0xb8;
	[tilespmem:$0x1C100] =	vst v63  }
0x216: {  	s31 =	simm.s32 $0x12900  }
0x217: {  	[tilespmem:s31], [sflag:$0x5] =	stream.indirect_vreg.gather [hbm4b:s9+s3], $0x80, v2, vm0, $0xb8;
	[tilespmem:$0x1C100] =	vst v63  }
0x218: {  	s31 =	simm.s32 $0x13100  }
0x219: {  	[tilespmem:s31], [sflag:$0x5] =	stream.indirect_vreg.gather [hbm4b:s10+s3], $0x80, v2, vm0, $0xb8;
	[tilespmem:$0x1C100] =	vst v63  }
0x21a: {  	s31 =	simm.s32 $0x13900  }
0x21b: {  	[tilespmem:s31], [sflag:$0x5] =	stream.indirect_vreg.gather [hbm4b:s11+s3], $0x80, v2, vm0, $0xb8;
	[tilespmem:$0x1C100] =	vst v63  }
0x21c: {  	_ =	swait.ge [sflag:s24], $0x4000  }
0x21d: {  	[sflag:s24] =	ssyncset.done $0x0  }
0x21e: {  	s14 =	simm.s32 $0x14100;
	s31 =	rddreg [dreg:$0x10];
	[sflag:s24] =	ssyncadd.s32 $0xFFFFC000  }
0x21f: {  	[hbm4b:s31+s3] =	stream.linear.scatter [tilespmem:s14], [sflag:$0xD], $0x4000, $0x38;
	[tilespmem:$0x1C100] =	vst v63  }
0x220: {  	_ =	swait.ge [sflag:s25], $0x4000  }
0x221: {  	[sflag:s25] =	ssyncset.done $0x0  }
0x222: {  	[sflag:s25] =	ssyncadd.s32 $0xFFFFC000  }
0x223: {  	v2 =	vld.msk [tilespmem:$0x98], $0xff;
	_ =	sdelay $0x4  }
0x224: {  	v3 =	vshll.u32 v2, $0x4  }
0x225: {  	v2 =	vand.u32 $0x7, v2;
	v3 =	vand.u32 $0xFFFFFF80, v3  }
0x226: {  	v2 =	vor.u32 v2, v3  }
0x227: {  	v2 =	vperm.xlane v2, v0;
	_ =	sdelay $0x1  }
0x228: {  	v2 =	vadd.s32 v1, v2;
	_ =	sdelay $0x4  }
0x229: {  	[tilespmem:s14], [sflag:$0x6] =	stream.indirect_vreg.gather [hbm4b:s1+s3], $0x80, v2, vm0, $0xb8;
	[tilespmem:$0x1C100] =	vst v63  }
0x22a: {  	s14 =	simm.s32 $0x14900  }
0x22b: {  	[tilespmem:s14], [sflag:$0x6] =	stream.indirect_vreg.gather [hbm4b:s5+s3], $0x80, v2, vm0, $0xb8;
	[tilespmem:$0x1C100] =	vst v63  }
0x22c: {  	s31 =	simm.s32 $0x15100  }
0x22d: {  	[tilespmem:s31], [sflag:$0x6] =	stream.indirect_vreg.gather [hbm4b:s6+s3], $0x80, v2, vm0, $0xb8;
	[tilespmem:$0x1C100] =	vst v63  }
0x22e: {  	s14 =	simm.s32 $0x15900  }
0x22f: {  	[tilespmem:s14], [sflag:$0x6] =	stream.indirect_vreg.gather [hbm4b:s7+s3], $0x80, v2, vm0, $0xb8;
	[tilespmem:$0x1C100] =	vst v63  }
0x230: {  	s28 =	simm.s32 $0x16100  }
0x231: {  	[tilespmem:s28], [sflag:$0x6] =	stream.indirect_vreg.gather [hbm4b:s8+s3], $0x80, v2, vm0, $0xb8;
	[tilespmem:$0x1C100] =	vst v63  }
0x232: {  	s31 =	simm.s32 $0x16900  }
0x233: {  	[tilespmem:s31], [sflag:$0x6] =	stream.indirect_vreg.gather [hbm4b:s9+s3], $0x80, v2, vm0, $0xb8;
	[tilespmem:$0x1C100] =	vst v63  }
0x234: {  	s28 =	simm.s32 $0x17100  }
0x235: {  	[tilespmem:s28], [sflag:$0x6] =	stream.indirect_vreg.gather [hbm4b:s10+s3], $0x80, v2, vm0, $0xb8;
	[tilespmem:$0x1C100] =	vst v63  }
0x236: {  	s31 =	simm.s32 $0x17900  }
0x237: {  	[tilespmem:s31], [sflag:$0x6] =	stream.indirect_vreg.gather [hbm4b:s11+s3], $0x80, v2, vm0, $0xb8;
	[tilespmem:$0x1C100] =	vst v63  }
0x238: {  	_ =	swait.ge [sflag:s26], $0x4000  }
0x239: {  	[sflag:s26] =	ssyncset.done $0x0  }
0x23a: {  	s31 =	simm.s32 $0x18100;
	s14 =	rddreg [dreg:$0x11];
	[sflag:s26] =	ssyncadd.s32 $0xFFFFC000  }
0x23b: {  	[hbm4b:s14+s3] =	stream.linear.scatter [tilespmem:s31], [sflag:$0xE], $0x4000, $0x38;
	[tilespmem:$0x1C100] =	vst v63  }
0x23c: {  	_ =	swait.ge [sflag:s12], $0x4000  }
0x23d: {  	[sflag:s12] =	ssyncset.done $0x0  }
0x23e: {  	[sflag:s12] =	ssyncadd.s32 $0xFFFFC000  }
0x23f: {  	v2 =	vld.msk [tilespmem:$0xA0], $0xff;
	_ =	sdelay $0x4  }
0x240: {  	v3 =	vshll.u32 v2, $0x4  }
0x241: {  	v2 =	vand.u32 $0x7, v2;
	v3 =	vand.u32 $0xFFFFFF80, v3  }
0x242: {  	v2 =	vor.u32 v2, v3  }
0x243: {  	v2 =	vperm.xlane v2, v0;
	_ =	sdelay $0x1  }
0x244: {  	v2 =	vadd.s32 v1, v2;
	_ =	sdelay $0x4  }
0x245: {  	[tilespmem:s31], [sflag:$0x7] =	stream.indirect_vreg.gather [hbm4b:s1+s3], $0x80, v2, vm0, $0xb8;
	[tilespmem:$0x1C100] =	vst v63  }
0x246: {  	s28 =	simm.s32 $0x18900  }
0x247: {  	[tilespmem:s28], [sflag:$0x7] =	stream.indirect_vreg.gather [hbm4b:s5+s3], $0x80, v2, vm0, $0xb8;
	[tilespmem:$0x1C100] =	vst v63  }
0x248: {  	s31 =	simm.s32 $0x19100  }
0x249: {  	[tilespmem:s31], [sflag:$0x7] =	stream.indirect_vreg.gather [hbm4b:s6+s3], $0x80, v2, vm0, $0xb8;
	[tilespmem:$0x1C100] =	vst v63  }
0x24a: {  	s14 =	simm.s32 $0x19900  }
0x24b: {  	[tilespmem:s14], [sflag:$0x7] =	stream.indirect_vreg.gather [hbm4b:s7+s3], $0x80, v2, vm0, $0xb8;
	[tilespmem:$0x1C100] =	vst v63  }
0x24c: {  	s14 =	simm.s32 $0x1A100  }
0x24d: {  	[tilespmem:s14], [sflag:$0x7] =	stream.indirect_vreg.gather [hbm4b:s8+s3], $0x80, v2, vm0, $0xb8;
	[tilespmem:$0x1C100] =	vst v63  }
0x24e: {  	s14 =	simm.s32 $0x1A900  }
0x24f: {  	[tilespmem:s14], [sflag:$0x7] =	stream.indirect_vreg.gather [hbm4b:s9+s3], $0x80, v2, vm0, $0xb8;
	[tilespmem:$0x1C100] =	vst v63  }
0x250: {  	s14 =	simm.s32 $0x1B100  }
0x251: {  	[tilespmem:s14], [sflag:$0x7] =	stream.indirect_vreg.gather [hbm4b:s10+s3], $0x80, v2, vm0, $0xb8;
	[tilespmem:$0x1C100] =	vst v63  }
0x252: {  	s28 =	simm.s32 $0x1B900  }
0x253: {  	[tilespmem:s28], [sflag:$0x7] =	stream.indirect_vreg.gather [hbm4b:s11+s3], $0x80, v2, vm0, $0xb8;
	[tilespmem:$0x1C100] =	vst v63  }
0x254: {  	_ =	swait.ge [sflag:s2], $0x4000  }
0x255: {  	[sflag:s2] =	ssyncset.done $0x0  }
0x256: {  	s30 =	simm.s32 $0x100;
	s14 =	rddreg [dreg:$0x12];
	[sflag:s2] =	ssyncadd.s32 $0xFFFFC000  }
0x257: {  	[hbm4b:s14+s3] =	stream.linear.scatter [tilespmem:s30], [sflag:$0x8], $0x4000, $0x38;
	[tilespmem:$0x1C100] =	vst v63  }
0x258: {  	_ =	swait.ge [sflag:s0], $0x4000  }
0x259: {  	[sflag:s0] =	ssyncset.done $0x0  }
0x25a: {  	[sflag:s0] =	ssyncadd.s32 $0xFFFFC000  }
0x25b: {  	v2 =	vld.msk [tilespmem:$0xA8], $0xff;
	_ =	sdelay $0x4  }
0x25c: {  	v3 =	vshll.u32 v2, $0x4  }
0x25d: {  	v2 =	vand.u32 $0x7, v2;
	v3 =	vand.u32 $0xFFFFFF80, v3  }
0x25e: {  	v2 =	vor.u32 v2, v3  }
0x25f: {  	v2 =	vperm.xlane v2, v0;
	_ =	sdelay $0x1  }
0x260: {  	v2 =	vadd.s32 v1, v2;
	_ =	sdelay $0x4  }
0x261: {  	[tilespmem:s30], [sflag:$0x1] =	stream.indirect_vreg.gather [hbm4b:s1+s3], $0x80, v2, vm0, $0xb8;
	[tilespmem:$0x1C100] =	vst v63  }
0x262: {  	s30 =	simm.s32 $0x900  }
0x263: {  	[tilespmem:s30], [sflag:$0x1] =	stream.indirect_vreg.gather [hbm4b:s5+s3], $0x80, v2, vm0, $0xb8;
	[tilespmem:$0x1C100] =	vst v63  }
0x264: {  	s28 =	simm.s32 $0x1100  }
0x265: {  	[tilespmem:s28], [sflag:$0x1] =	stream.indirect_vreg.gather [hbm4b:s6+s3], $0x80, v2, vm0, $0xb8;
	[tilespmem:$0x1C100] =	vst v63  }
0x266: {  	s30 =	simm.s32 $0x1900  }
0x267: {  	[tilespmem:s30], [sflag:$0x1] =	stream.indirect_vreg.gather [hbm4b:s7+s3], $0x80, v2, vm0, $0xb8;
	[tilespmem:$0x1C100] =	vst v63  }
0x268: {  	s28 =	simm.s32 $0x2100  }
0x269: {  	[tilespmem:s28], [sflag:$0x1] =	stream.indirect_vreg.gather [hbm4b:s8+s3], $0x80, v2, vm0, $0xb8;
	[tilespmem:$0x1C100] =	vst v63  }
0x26a: {  	s30 =	simm.s32 $0x2900  }
0x26b: {  	[tilespmem:s30], [sflag:$0x1] =	stream.indirect_vreg.gather [hbm4b:s9+s3], $0x80, v2, vm0, $0xb8;
	[tilespmem:$0x1C100] =	vst v63  }
0x26c: {  	s28 =	simm.s32 $0x3100  }
0x26d: {  	[tilespmem:s28], [sflag:$0x1] =	stream.indirect_vreg.gather [hbm4b:s10+s3], $0x80, v2, vm0, $0xb8;
	[tilespmem:$0x1C100] =	vst v63  }
0x26e: {  	s30 =	simm.s32 $0x3900  }
0x26f: {  	[tilespmem:s30], [sflag:$0x1] =	stream.indirect_vreg.gather [hbm4b:s11+s3], $0x80, v2, vm0, $0xb8;
	[tilespmem:$0x1C100] =	vst v63  }
0x270: {  	_ =	swait.ge [sflag:s13], $0x4000  }
0x271: {  	[sflag:s13] =	ssyncset.done $0x0  }
0x272: {  	s29 =	simm.s32 $0x4100;
	s14 =	rddreg [dreg:$0x13];
	[sflag:s13] =	ssyncadd.s32 $0xFFFFC000  }
0x273: {  	[hbm4b:s14+s3] =	stream.linear.scatter [tilespmem:s29], [sflag:$0x9], $0x4000, $0x38;
	[tilespmem:$0x1C100] =	vst v63  }
0x274: {  	_ =	swait.ge [sflag:s4], $0x4000  }
0x275: {  	[sflag:s4] =	ssyncset.done $0x0  }
0x276: {  	[sflag:s4] =	ssyncadd.s32 $0xFFFFC000  }
0x277: {  	v2 =	vld.msk [tilespmem:$0xB0], $0xff;
	_ =	sdelay $0x4  }
0x278: {  	v3 =	vshll.u32 v2, $0x4  }
0x279: {  	v2 =	vand.u32 $0x7, v2;
	v3 =	vand.u32 $0xFFFFFF80, v3  }
0x27a: {  	v2 =	vor.u32 v2, v3  }
0x27b: {  	v2 =	vperm.xlane v2, v0;
	_ =	sdelay $0x1  }
0x27c: {  	v2 =	vadd.s32 v1, v2;
	_ =	sdelay $0x4  }
0x27d: {  	[tilespmem:s29], [sflag:$0x2] =	stream.indirect_vreg.gather [hbm4b:s1+s3], $0x80, v2, vm0, $0xb8;
	[tilespmem:$0x1C100] =	vst v63  }
0x27e: {  	s30 =	simm.s32 $0x4900  }
0x27f: {  	[tilespmem:s30], [sflag:$0x2] =	stream.indirect_vreg.gather [hbm4b:s5+s3], $0x80, v2, vm0, $0xb8;
	[tilespmem:$0x1C100] =	vst v63  }
0x280: {  	s28 =	simm.s32 $0x5100  }
0x281: {  	[tilespmem:s28], [sflag:$0x2] =	stream.indirect_vreg.gather [hbm4b:s6+s3], $0x80, v2, vm0, $0xb8;
	[tilespmem:$0x1C100] =	vst v63  }
0x282: {  	s29 =	simm.s32 $0x5900  }
0x283: {  	[tilespmem:s29], [sflag:$0x2] =	stream.indirect_vreg.gather [hbm4b:s7+s3], $0x80, v2, vm0, $0xb8;
	[tilespmem:$0x1C100] =	vst v63  }
0x284: {  	s30 =	simm.s32 $0x6100  }
0x285: {  	[tilespmem:s30], [sflag:$0x2] =	stream.indirect_vreg.gather [hbm4b:s8+s3], $0x80, v2, vm0, $0xb8;
	[tilespmem:$0x1C100] =	vst v63  }
0x286: {  	s28 =	simm.s32 $0x6900  }
0x287: {  	[tilespmem:s28], [sflag:$0x2] =	stream.indirect_vreg.gather [hbm4b:s9+s3], $0x80, v2, vm0, $0xb8;
	[tilespmem:$0x1C100] =	vst v63  }
0x288: {  	s29 =	simm.s32 $0x7100  }
0x289: {  	[tilespmem:s29], [sflag:$0x2] =	stream.indirect_vreg.gather [hbm4b:s10+s3], $0x80, v2, vm0, $0xb8;
	[tilespmem:$0x1C100] =	vst v63  }
0x28a: {  	s30 =	simm.s32 $0x7900  }
0x28b: {  	[tilespmem:s30], [sflag:$0x2] =	stream.indirect_vreg.gather [hbm4b:s11+s3], $0x80, v2, vm0, $0xb8;
	[tilespmem:$0x1C100] =	vst v63  }
0x28c: {  	_ =	swait.ge [sflag:s15], $0x4000  }
0x28d: {  	[sflag:s15] =	ssyncset.done $0x0  }
0x28e: {  	s18 =	simm.s32 $0x8100;
	s14 =	rddreg [dreg:$0x14];
	[sflag:s15] =	ssyncadd.s32 $0xFFFFC000  }
0x28f: {  	[hbm4b:s14+s3] =	stream.linear.scatter [tilespmem:s18], [sflag:$0xA], $0x4000, $0x38;
	[tilespmem:$0x1C100] =	vst v63  }
0x290: {  	_ =	swait.ge [sflag:s16], $0x4000  }
0x291: {  	[sflag:s16] =	ssyncset.done $0x0  }
0x292: {  	[sflag:s16] =	ssyncadd.s32 $0xFFFFC000  }
0x293: {  	v2 =	vld.msk [tilespmem:$0xB8], $0xff;
	_ =	sdelay $0x4  }
0x294: {  	v3 =	vshll.u32 v2, $0x4  }
0x295: {  	v2 =	vand.u32 $0x7, v2;
	v3 =	vand.u32 $0xFFFFFF80, v3  }
0x296: {  	v2 =	vor.u32 v2, v3  }
0x297: {  	v2 =	vperm.xlane v2, v0;
	_ =	sdelay $0x1  }
0x298: {  	v2 =	vadd.s32 v1, v2;
	_ =	sdelay $0x4  }
0x299: {  	[tilespmem:s18], [sflag:$0x3] =	stream.indirect_vreg.gather [hbm4b:s1+s3], $0x80, v2, vm0, $0xb8;
	[tilespmem:$0x1C100] =	vst v63  }
0x29a: {  	s28 =	simm.s32 $0x8900  }
0x29b: {  	[tilespmem:s28], [sflag:$0x3] =	stream.indirect_vreg.gather [hbm4b:s5+s3], $0x80, v2, vm0, $0xb8;
	[tilespmem:$0x1C100] =	vst v63  }
0x29c: {  	s29 =	simm.s32 $0x9100  }
0x29d: {  	[tilespmem:s29], [sflag:$0x3] =	stream.indirect_vreg.gather [hbm4b:s6+s3], $0x80, v2, vm0, $0xb8;
	[tilespmem:$0x1C100] =	vst v63  }
0x29e: {  	s30 =	simm.s32 $0x9900  }
0x29f: {  	[tilespmem:s30], [sflag:$0x3] =	stream.indirect_vreg.gather [hbm4b:s7+s3], $0x80, v2, vm0, $0xb8;
	[tilespmem:$0x1C100] =	vst v63  }
0x2a0: {  	s18 =	simm.s32 $0xA100  }
0x2a1: {  	[tilespmem:s18], [sflag:$0x3] =	stream.indirect_vreg.gather [hbm4b:s8+s3], $0x80, v2, vm0, $0xb8;
	[tilespmem:$0x1C100] =	vst v63  }
0x2a2: {  	s28 =	simm.s32 $0xA900  }
0x2a3: {  	[tilespmem:s28], [sflag:$0x3] =	stream.indirect_vreg.gather [hbm4b:s9+s3], $0x80, v2, vm0, $0xb8;
	[tilespmem:$0x1C100] =	vst v63  }
0x2a4: {  	s29 =	simm.s32 $0xB100  }
0x2a5: {  	[tilespmem:s29], [sflag:$0x3] =	stream.indirect_vreg.gather [hbm4b:s10+s3], $0x80, v2, vm0, $0xb8;
	[tilespmem:$0x1C100] =	vst v63  }
0x2a6: {  	s30 =	simm.s32 $0xB900  }
0x2a7: {  	[tilespmem:s30], [sflag:$0x3] =	stream.indirect_vreg.gather [hbm4b:s11+s3], $0x80, v2, vm0, $0xb8;
	[tilespmem:$0x1C100] =	vst v63  }
0x2a8: {  	_ =	swait.ge [sflag:s17], $0x4000  }
0x2a9: {  	[sflag:s17] =	ssyncset.done $0x0  }
0x2aa: {  	s20 =	simm.s32 $0xC100;
	s14 =	rddreg [dreg:$0x15];
	[sflag:s17] =	ssyncadd.s32 $0xFFFFC000  }
0x2ab: {  	[hbm4b:s14+s3] =	stream.linear.scatter [tilespmem:s20], [sflag:$0xB], $0x4000, $0x38;
	[tilespmem:$0x1C100] =	vst v63  }
0x2ac: {  	_ =	swait.ge [sflag:s19], $0x4000  }
0x2ad: {  	[sflag:s19] =	ssyncset.done $0x0  }
0x2ae: {  	[sflag:s19] =	ssyncadd.s32 $0xFFFFC000  }
0x2af: {  	v2 =	vld.msk [tilespmem:$0xC0], $0xff;
	_ =	sdelay $0x4  }
0x2b0: {  	v3 =	vshll.u32 v2, $0x4  }
0x2b1: {  	v2 =	vand.u32 $0x7, v2;
	v3 =	vand.u32 $0xFFFFFF80, v3  }
0x2b2: {  	v2 =	vor.u32 v2, v3  }
0x2b3: {  	v2 =	vperm.xlane v2, v0;
	_ =	sdelay $0x1  }
0x2b4: {  	v2 =	vadd.s32 v1, v2;
	_ =	sdelay $0x4  }
0x2b5: {  	[tilespmem:s20], [sflag:$0x4] =	stream.indirect_vreg.gather [hbm4b:s1+s3], $0x80, v2, vm0, $0xb8;
	[tilespmem:$0x1C100] =	vst v63  }
0x2b6: {  	s18 =	simm.s32 $0xC900  }
0x2b7: {  	[tilespmem:s18], [sflag:$0x4] =	stream.indirect_vreg.gather [hbm4b:s5+s3], $0x80, v2, vm0, $0xb8;
	[tilespmem:$0x1C100] =	vst v63  }
0x2b8: {  	_ = 	snop  }
0x2b9: {  	[tilespmem:s22], [sflag:$0x4] =	stream.indirect_vreg.gather [hbm4b:s6+s3], $0x80, v2, vm0, $0xb8;
	[tilespmem:$0x1C100] =	vst v63  }
0x2ba: {  	s20 =	simm.s32 $0xD900  }
0x2bb: {  	[tilespmem:s20], [sflag:$0x4] =	stream.indirect_vreg.gather [hbm4b:s7+s3], $0x80, v2, vm0, $0xb8;
	[tilespmem:$0x1C100] =	vst v63  }
0x2bc: {  	s22 =	simm.s32 $0xE100  }
0x2bd: {  	[tilespmem:s22], [sflag:$0x4] =	stream.indirect_vreg.gather [hbm4b:s8+s3], $0x80, v2, vm0, $0xb8;
	[tilespmem:$0x1C100] =	vst v63  }
0x2be: {  	s28 =	simm.s32 $0xE900  }
0x2bf: {  	[tilespmem:s28], [sflag:$0x4] =	stream.indirect_vreg.gather [hbm4b:s9+s3], $0x80, v2, vm0, $0xb8;
	[tilespmem:$0x1C100] =	vst v63  }
0x2c0: {  	s29 =	simm.s32 $0xF100  }
0x2c1: {  	[tilespmem:s29], [sflag:$0x4] =	stream.indirect_vreg.gather [hbm4b:s10+s3], $0x80, v2, vm0, $0xb8;
	[tilespmem:$0x1C100] =	vst v63  }
0x2c2: {  	s30 =	simm.s32 $0xF900  }
0x2c3: {  	[tilespmem:s30], [sflag:$0x4] =	stream.indirect_vreg.gather [hbm4b:s11+s3], $0x80, v2, vm0, $0xb8;
	[tilespmem:$0x1C100] =	vst v63  }
0x2c4: {  	_ =	swait.ge [sflag:s21], $0x4000  }
0x2c5: {  	[sflag:s21] =	ssyncset.done $0x0  }
0x2c6: {  	s22 =	simm.s32 $0x10100;
	s20 =	rddreg [dreg:$0x16];
	[sflag:s21] =	ssyncadd.s32 $0xFFFFC000  }
0x2c7: {  	[hbm4b:s20+s3] =	stream.linear.scatter [tilespmem:s22], [sflag:$0xC], $0x4000, $0x38;
	[tilespmem:$0x1C100] =	vst v63  }
0x2c8: {  	_ =	swait.ge [sflag:s23], $0x4000  }
0x2c9: {  	[sflag:s23] =	ssyncset.done $0x0  }
0x2ca: {  	[sflag:s23] =	ssyncadd.s32 $0xFFFFC000  }
0x2cb: {  	v2 =	vld.msk [tilespmem:$0xC8], $0xff;
	_ =	sdelay $0x4  }
0x2cc: {  	v3 =	vshll.u32 v2, $0x4  }
0x2cd: {  	v2 =	vand.u32 $0x7, v2;
	v3 =	vand.u32 $0xFFFFFF80, v3  }
0x2ce: {  	v2 =	vor.u32 v2, v3  }
0x2cf: {  	v2 =	vperm.xlane v2, v0;
	_ =	sdelay $0x1  }
0x2d0: {  	v2 =	vadd.s32 v1, v2;
	_ =	sdelay $0x4  }
0x2d1: {  	[tilespmem:s22], [sflag:$0x5] =	stream.indirect_vreg.gather [hbm4b:s1+s3], $0x80, v2, vm0, $0xb8;
	[tilespmem:$0x1C100] =	vst v63  }
0x2d2: {  	s28 =	simm.s32 $0x10900  }
0x2d3: {  	[tilespmem:s28], [sflag:$0x5] =	stream.indirect_vreg.gather [hbm4b:s5+s3], $0x80, v2, vm0, $0xb8;
	[tilespmem:$0x1C100] =	vst v63  }
0x2d4: {  	s29 =	simm.s32 $0x11100  }
0x2d5: {  	[tilespmem:s29], [sflag:$0x5] =	stream.indirect_vreg.gather [hbm4b:s6+s3], $0x80, v2, vm0, $0xb8;
	[tilespmem:$0x1C100] =	vst v63  }
0x2d6: {  	s30 =	simm.s32 $0x11900  }
0x2d7: {  	[tilespmem:s30], [sflag:$0x5] =	stream.indirect_vreg.gather [hbm4b:s7+s3], $0x80, v2, vm0, $0xb8;
	[tilespmem:$0x1C100] =	vst v63  }
0x2d8: {  	s20 =	simm.s32 $0x12100  }
0x2d9: {  	[tilespmem:s20], [sflag:$0x5] =	stream.indirect_vreg.gather [hbm4b:s8+s3], $0x80, v2, vm0, $0xb8;
	[tilespmem:$0x1C100] =	vst v63  }
0x2da: {  	s22 =	simm.s32 $0x12900  }
0x2db: {  	[tilespmem:s22], [sflag:$0x5] =	stream.indirect_vreg.gather [hbm4b:s9+s3], $0x80, v2, vm0, $0xb8;
	[tilespmem:$0x1C100] =	vst v63  }
0x2dc: {  	s28 =	simm.s32 $0x13100  }
0x2dd: {  	[tilespmem:s28], [sflag:$0x5] =	stream.indirect_vreg.gather [hbm4b:s10+s3], $0x80, v2, vm0, $0xb8;
	[tilespmem:$0x1C100] =	vst v63  }
0x2de: {  	s29 =	simm.s32 $0x13900  }
0x2df: {  	[tilespmem:s29], [sflag:$0x5] =	stream.indirect_vreg.gather [hbm4b:s11+s3], $0x80, v2, vm0, $0xb8;
	[tilespmem:$0x1C100] =	vst v63  }
0x2e0: {  	_ =	swait.ge [sflag:s24], $0x4000  }
0x2e1: {  	[sflag:s24] =	ssyncset.done $0x0  }
0x2e2: {  	s18 =	simm.s32 $0x14100;
	s30 =	rddreg [dreg:$0x17];
	[sflag:s24] =	ssyncadd.s32 $0xFFFFC000  }
0x2e3: {  	[hbm4b:s30+s3] =	stream.linear.scatter [tilespmem:s18], [sflag:$0xD], $0x4000, $0x38;
	[tilespmem:$0x1C100] =	vst v63  }
0x2e4: {  	_ =	swait.ge [sflag:s25], $0x4000  }
0x2e5: {  	[sflag:s25] =	ssyncset.done $0x0  }
0x2e6: {  	[sflag:s25] =	ssyncadd.s32 $0xFFFFC000  }
0x2e7: {  	v2 =	vld.msk [tilespmem:$0xD0], $0xff;
	_ =	sdelay $0x4  }
0x2e8: {  	v3 =	vshll.u32 v2, $0x4  }
0x2e9: {  	v2 =	vand.u32 $0x7, v2;
	v3 =	vand.u32 $0xFFFFFF80, v3  }
0x2ea: {  	v2 =	vor.u32 v2, v3  }
0x2eb: {  	v2 =	vperm.xlane v2, v0;
	_ =	sdelay $0x1  }
0x2ec: {  	v2 =	vadd.s32 v1, v2;
	_ =	sdelay $0x4  }
0x2ed: {  	[tilespmem:s18], [sflag:$0x6] =	stream.indirect_vreg.gather [hbm4b:s1+s3], $0x80, v2, vm0, $0xb8;
	[tilespmem:$0x1C100] =	vst v63  }
0x2ee: {  	s22 =	simm.s32 $0x14900  }
0x2ef: {  	[tilespmem:s22], [sflag:$0x6] =	stream.indirect_vreg.gather [hbm4b:s5+s3], $0x80, v2, vm0, $0xb8;
	[tilespmem:$0x1C100] =	vst v63  }
0x2f0: {  	s28 =	simm.s32 $0x15100  }
0x2f1: {  	[tilespmem:s28], [sflag:$0x6] =	stream.indirect_vreg.gather [hbm4b:s6+s3], $0x80, v2, vm0, $0xb8;
	[tilespmem:$0x1C100] =	vst v63  }
0x2f2: {  	s30 =	simm.s32 $0x15900  }
0x2f3: {  	[tilespmem:s30], [sflag:$0x6] =	stream.indirect_vreg.gather [hbm4b:s7+s3], $0x80, v2, vm0, $0xb8;
	[tilespmem:$0x1C100] =	vst v63  }
0x2f4: {  	s20 =	simm.s32 $0x16100  }
0x2f5: {  	[tilespmem:s20], [sflag:$0x6] =	stream.indirect_vreg.gather [hbm4b:s8+s3], $0x80, v2, vm0, $0xb8;
	[tilespmem:$0x1C100] =	vst v63  }
0x2f6: {  	s22 =	simm.s32 $0x16900  }
0x2f7: {  	[tilespmem:s22], [sflag:$0x6] =	stream.indirect_vreg.gather [hbm4b:s9+s3], $0x80, v2, vm0, $0xb8;
	[tilespmem:$0x1C100] =	vst v63  }
0x2f8: {  	s28 =	simm.s32 $0x17100  }
0x2f9: {  	[tilespmem:s28], [sflag:$0x6] =	stream.indirect_vreg.gather [hbm4b:s10+s3], $0x80, v2, vm0, $0xb8;
	[tilespmem:$0x1C100] =	vst v63  }
0x2fa: {  	s30 =	simm.s32 $0x17900  }
0x2fb: {  	[tilespmem:s30], [sflag:$0x6] =	stream.indirect_vreg.gather [hbm4b:s11+s3], $0x80, v2, vm0, $0xb8;
	[tilespmem:$0x1C100] =	vst v63  }
0x2fc: {  	_ =	swait.ge [sflag:s26], $0x4000  }
0x2fd: {  	[sflag:s26] =	ssyncset.done $0x0  }
0x2fe: {  	s22 =	simm.s32 $0x18100;
	s20 =	rddreg [dreg:$0x18];
	[sflag:s26] =	ssyncadd.s32 $0xFFFFC000  }
0x2ff: {  	[hbm4b:s20+s3] =	stream.linear.scatter [tilespmem:s22], [sflag:$0xE], $0x4000, $0x38;
	[tilespmem:$0x1C100] =	vst v63  }
0x300: {  	_ =	swait.ge [sflag:s12], $0x4000  }
0x301: {  	[sflag:s12] =	ssyncset.done $0x0  }
0x302: {  	[sflag:s12] =	ssyncadd.s32 $0xFFFFC000  }
0x303: {  	v2 =	vld.msk [tilespmem:$0xD8], $0xff;
	_ =	sdelay $0x4  }
0x304: {  	v3 =	vshll.u32 v2, $0x4  }
0x305: {  	v2 =	vand.u32 $0x7, v2;
	v3 =	vand.u32 $0xFFFFFF80, v3  }
0x306: {  	v2 =	vor.u32 v2, v3  }
0x307: {  	v2 =	vperm.xlane v2, v0;
	_ =	sdelay $0x1  }
0x308: {  	v2 =	vadd.s32 v1, v2;
	_ =	sdelay $0x4  }
0x309: {  	[tilespmem:s22], [sflag:$0x7] =	stream.indirect_vreg.gather [hbm4b:s1+s3], $0x80, v2, vm0, $0xb8;
	[tilespmem:$0x1C100] =	vst v63  }
0x30a: {  	s30 =	simm.s32 $0x18900  }
0x30b: {  	[tilespmem:s30], [sflag:$0x7] =	stream.indirect_vreg.gather [hbm4b:s5+s3], $0x80, v2, vm0, $0xb8;
	[tilespmem:$0x1C100] =	vst v63  }
0x30c: {  	s31 =	simm.s32 $0x19100  }
0x30d: {  	[tilespmem:s31], [sflag:$0x7] =	stream.indirect_vreg.gather [hbm4b:s6+s3], $0x80, v2, vm0, $0xb8;
	[tilespmem:$0x1C100] =	vst v63  }
0x30e: {  	s31 =	simm.s32 $0x19900  }
0x30f: {  	[tilespmem:s31], [sflag:$0x7] =	stream.indirect_vreg.gather [hbm4b:s7+s3], $0x80, v2, vm0, $0xb8;
	[tilespmem:$0x1C100] =	vst v63  }
0x310: {  	s22 =	simm.s32 $0x1A100  }
0x311: {  	[tilespmem:s22], [sflag:$0x7] =	stream.indirect_vreg.gather [hbm4b:s8+s3], $0x80, v2, vm0, $0xb8;
	[tilespmem:$0x1C100] =	vst v63  }
0x312: {  	s28 =	simm.s32 $0x1A900  }
0x313: {  	[tilespmem:s28], [sflag:$0x7] =	stream.indirect_vreg.gather [hbm4b:s9+s3], $0x80, v2, vm0, $0xb8;
	[tilespmem:$0x1C100] =	vst v63  }
0x314: {  	s30 =	simm.s32 $0x1B100  }
0x315: {  	[tilespmem:s30], [sflag:$0x7] =	stream.indirect_vreg.gather [hbm4b:s10+s3], $0x80, v2, vm0, $0xb8;
	[tilespmem:$0x1C100] =	vst v63  }
0x316: {  	s31 =	simm.s32 $0x1B900  }
0x317: {  	[tilespmem:s31], [sflag:$0x7] =	stream.indirect_vreg.gather [hbm4b:s11+s3], $0x80, v2, vm0, $0xb8;
	[tilespmem:$0x1C100] =	vst v63  }
0x318: {  	_ =	swait.ge [sflag:s2], $0x4000  }
0x319: {  	[sflag:s2] =	ssyncset.done $0x0  }
0x31a: {  	s22 =	simm.s32 $0x100;
	s18 =	rddreg [dreg:$0x19];
	[sflag:s2] =	ssyncadd.s32 $0xFFFFC000  }
0x31b: {  	[hbm4b:s18+s3] =	stream.linear.scatter [tilespmem:s22], [sflag:$0x8], $0x4000, $0x38;
	[tilespmem:$0x1C100] =	vst v63  }
0x31c: {  	_ =	swait.ge [sflag:s0], $0x4000  }
0x31d: {  	[sflag:s0] =	ssyncset.done $0x0  }
0x31e: {  	[sflag:s0] =	ssyncadd.s32 $0xFFFFC000  }
0x31f: {  	v2 =	vld.msk [tilespmem:$0xE0], $0xff;
	_ =	sdelay $0x4  }
0x320: {  	v3 =	vshll.u32 v2, $0x4  }
0x321: {  	v2 =	vand.u32 $0x7, v2;
	v3 =	vand.u32 $0xFFFFFF80, v3  }
0x322: {  	v2 =	vor.u32 v2, v3  }
0x323: {  	v2 =	vperm.xlane v2, v0;
	_ =	sdelay $0x1  }
0x324: {  	v2 =	vadd.s32 v1, v2;
	_ =	sdelay $0x4  }
0x325: {  	[tilespmem:s22], [sflag:$0x1] =	stream.indirect_vreg.gather [hbm4b:s1+s3], $0x80, v2, vm0, $0xb8;
	[tilespmem:$0x1C100] =	vst v63  }
0x326: {  	s28 =	simm.s32 $0x900  }
0x327: {  	[tilespmem:s28], [sflag:$0x1] =	stream.indirect_vreg.gather [hbm4b:s5+s3], $0x80, v2, vm0, $0xb8;
	[tilespmem:$0x1C100] =	vst v63  }
0x328: {  	s31 =	simm.s32 $0x1100  }
0x329: {  	[tilespmem:s31], [sflag:$0x1] =	stream.indirect_vreg.gather [hbm4b:s6+s3], $0x80, v2, vm0, $0xb8;
	[tilespmem:$0x1C100] =	vst v63  }
0x32a: {  	s22 =	simm.s32 $0x1900  }
0x32b: {  	[tilespmem:s22], [sflag:$0x1] =	stream.indirect_vreg.gather [hbm4b:s7+s3], $0x80, v2, vm0, $0xb8;
	[tilespmem:$0x1C100] =	vst v63  }
0x32c: {  	s28 =	simm.s32 $0x2100  }
0x32d: {  	[tilespmem:s28], [sflag:$0x1] =	stream.indirect_vreg.gather [hbm4b:s8+s3], $0x80, v2, vm0, $0xb8;
	[tilespmem:$0x1C100] =	vst v63  }
0x32e: {  	s31 =	simm.s32 $0x2900  }
0x32f: {  	[tilespmem:s31], [sflag:$0x1] =	stream.indirect_vreg.gather [hbm4b:s9+s3], $0x80, v2, vm0, $0xb8;
	[tilespmem:$0x1C100] =	vst v63  }
0x330: {  	s22 =	simm.s32 $0x3100  }
0x331: {  	[tilespmem:s22], [sflag:$0x1] =	stream.indirect_vreg.gather [hbm4b:s10+s3], $0x80, v2, vm0, $0xb8;
	[tilespmem:$0x1C100] =	vst v63  }
0x332: {  	s28 =	simm.s32 $0x3900  }
0x333: {  	[tilespmem:s28], [sflag:$0x1] =	stream.indirect_vreg.gather [hbm4b:s11+s3], $0x80, v2, vm0, $0xb8;
	[tilespmem:$0x1C100] =	vst v63  }
0x334: {  	_ =	swait.ge [sflag:s13], $0x4000  }
0x335: {  	[sflag:s13] =	ssyncset.done $0x0  }
0x336: {  	s18 =	simm.s32 $0x4100;
	s31 =	rddreg [dreg:$0x1a];
	[sflag:s13] =	ssyncadd.s32 $0xFFFFC000  }
0x337: {  	[hbm4b:s31+s3] =	stream.linear.scatter [tilespmem:s18], [sflag:$0x9], $0x4000, $0x38;
	[tilespmem:$0x1C100] =	vst v63  }
0x338: {  	_ =	swait.ge [sflag:s4], $0x4000  }
0x339: {  	[sflag:s4] =	ssyncset.done $0x0  }
0x33a: {  	[sflag:s4] =	ssyncadd.s32 $0xFFFFC000  }
0x33b: {  	v2 =	vld.msk [tilespmem:$0xE8], $0xff;
	_ =	sdelay $0x4  }
0x33c: {  	v3 =	vshll.u32 v2, $0x4  }
0x33d: {  	v2 =	vand.u32 $0x7, v2;
	v3 =	vand.u32 $0xFFFFFF80, v3  }
0x33e: {  	v2 =	vor.u32 v2, v3  }
0x33f: {  	v2 =	vperm.xlane v2, v0;
	_ =	sdelay $0x1  }
0x340: {  	v2 =	vadd.s32 v1, v2;
	_ =	sdelay $0x4  }
0x341: {  	[tilespmem:s18], [sflag:$0x2] =	stream.indirect_vreg.gather [hbm4b:s1+s3], $0x80, v2, vm0, $0xb8;
	[tilespmem:$0x1C100] =	vst v63  }
0x342: {  	s31 =	simm.s32 $0x4900  }
0x343: {  	[tilespmem:s31], [sflag:$0x2] =	stream.indirect_vreg.gather [hbm4b:s5+s3], $0x80, v2, vm0, $0xb8;
	[tilespmem:$0x1C100] =	vst v63  }
0x344: {  	s28 =	simm.s32 $0x5100  }
0x345: {  	[tilespmem:s28], [sflag:$0x2] =	stream.indirect_vreg.gather [hbm4b:s6+s3], $0x80, v2, vm0, $0xb8;
	[tilespmem:$0x1C100] =	vst v63  }
0x346: {  	s31 =	simm.s32 $0x5900  }
0x347: {  	[tilespmem:s31], [sflag:$0x2] =	stream.indirect_vreg.gather [hbm4b:s7+s3], $0x80, v2, vm0, $0xb8;
	[tilespmem:$0x1C100] =	vst v63  }
0x348: {  	s28 =	simm.s32 $0x6100  }
0x349: {  	[tilespmem:s28], [sflag:$0x2] =	stream.indirect_vreg.gather [hbm4b:s8+s3], $0x80, v2, vm0, $0xb8;
	[tilespmem:$0x1C100] =	vst v63  }
0x34a: {  	s31 =	simm.s32 $0x6900  }
0x34b: {  	[tilespmem:s31], [sflag:$0x2] =	stream.indirect_vreg.gather [hbm4b:s9+s3], $0x80, v2, vm0, $0xb8;
	[tilespmem:$0x1C100] =	vst v63  }
0x34c: {  	s28 =	simm.s32 $0x7100  }
0x34d: {  	[tilespmem:s28], [sflag:$0x2] =	stream.indirect_vreg.gather [hbm4b:s10+s3], $0x80, v2, vm0, $0xb8;
	[tilespmem:$0x1C100] =	vst v63  }
0x34e: {  	s31 =	simm.s32 $0x7900  }
0x34f: {  	[tilespmem:s31], [sflag:$0x2] =	stream.indirect_vreg.gather [hbm4b:s11+s3], $0x80, v2, vm0, $0xb8;
	[tilespmem:$0x1C100] =	vst v63  }
0x350: {  	_ =	swait.ge [sflag:s15], $0x4000  }
0x351: {  	[sflag:s15] =	ssyncset.done $0x0  }
0x352: {  	s31 =	simm.s32 $0x8100;
	s18 =	rddreg [dreg:$0x1b];
	[sflag:s15] =	ssyncadd.s32 $0xFFFFC000  }
0x353: {  	[hbm4b:s18+s3] =	stream.linear.scatter [tilespmem:s31], [sflag:$0xA], $0x4000, $0x38;
	[tilespmem:$0x1C100] =	vst v63  }
0x354: {  	_ =	swait.ge [sflag:s16], $0x4000  }
0x355: {  	[sflag:s16] =	ssyncset.done $0x0  }
0x356: {  	[sflag:s16] =	ssyncadd.s32 $0xFFFFC000  }
0x357: {  	v2 =	vld.msk [tilespmem:$0xF0], $0xff;
	_ =	sdelay $0x4  }
0x358: {  	v3 =	vshll.u32 v2, $0x4  }
0x359: {  	v2 =	vand.u32 $0x7, v2;
	v3 =	vand.u32 $0xFFFFFF80, v3  }
0x35a: {  	v2 =	vor.u32 v2, v3  }
0x35b: {  	v2 =	vperm.xlane v2, v0;
	_ =	sdelay $0x1  }
0x35c: {  	v2 =	vadd.s32 v1, v2;
	_ =	sdelay $0x4  }
0x35d: {  	[tilespmem:s31], [sflag:$0x3] =	stream.indirect_vreg.gather [hbm4b:s1+s3], $0x80, v2, vm0, $0xb8;
	[tilespmem:$0x1C100] =	vst v63  }
0x35e: {  	s31 =	simm.s32 $0x8900  }
0x35f: {  	[tilespmem:s31], [sflag:$0x3] =	stream.indirect_vreg.gather [hbm4b:s5+s3], $0x80, v2, vm0, $0xb8;
	[tilespmem:$0x1C100] =	vst v63  }
0x360: {  	s31 =	simm.s32 $0x9100  }
0x361: {  	[tilespmem:s31], [sflag:$0x3] =	stream.indirect_vreg.gather [hbm4b:s6+s3], $0x80, v2, vm0, $0xb8;
	[tilespmem:$0x1C100] =	vst v63  }
0x362: {  	s31 =	simm.s32 $0x9900  }
0x363: {  	[tilespmem:s31], [sflag:$0x3] =	stream.indirect_vreg.gather [hbm4b:s7+s3], $0x80, v2, vm0, $0xb8;
	[tilespmem:$0x1C100] =	vst v63  }
0x364: {  	s31 =	simm.s32 $0xA100  }
0x365: {  	[tilespmem:s31], [sflag:$0x3] =	stream.indirect_vreg.gather [hbm4b:s8+s3], $0x80, v2, vm0, $0xb8;
	[tilespmem:$0x1C100] =	vst v63  }
0x366: {  	s31 =	simm.s32 $0xA900  }
0x367: {  	[tilespmem:s31], [sflag:$0x3] =	stream.indirect_vreg.gather [hbm4b:s9+s3], $0x80, v2, vm0, $0xb8;
	[tilespmem:$0x1C100] =	vst v63  }
0x368: {  	s31 =	simm.s32 $0xB100  }
0x369: {  	[tilespmem:s31], [sflag:$0x3] =	stream.indirect_vreg.gather [hbm4b:s10+s3], $0x80, v2, vm0, $0xb8;
	[tilespmem:$0x1C100] =	vst v63  }
0x36a: {  	s31 =	simm.s32 $0xB900  }
0x36b: {  	[tilespmem:s31], [sflag:$0x3] =	stream.indirect_vreg.gather [hbm4b:s11+s3], $0x80, v2, vm0, $0xb8;
	[tilespmem:$0x1C100] =	vst v63  }
0x36c: {  	_ =	swait.ge [sflag:s17], $0x4000  }
0x36d: {  	[sflag:s17] =	ssyncset.done $0x0  }
0x36e: {  	s31 =	simm.s32 $0xC100;
	s28 =	rddreg [dreg:$0x1c];
	[sflag:s17] =	ssyncadd.s32 $0xFFFFC000  }
0x36f: {  	[hbm4b:s28+s3] =	stream.linear.scatter [tilespmem:s31], [sflag:$0xB], $0x4000, $0x38;
	[tilespmem:$0x1C100] =	vst v63  }
0x370: {  	_ =	swait.ge [sflag:s19], $0x4000  }
0x371: {  	[sflag:s19] =	ssyncset.done $0x0  }
0x372: {  	[sflag:s19] =	ssyncadd.s32 $0xFFFFC000  }
0x373: {  	v2 =	vld.msk [tilespmem:$0xF8], $0xff;
	_ =	sdelay $0x4  }
0x374: {  	v3 =	vshll.u32 v2, $0x4  }
0x375: {  	v2 =	vand.u32 $0x7, v2;
	v3 =	vand.u32 $0xFFFFFF80, v3  }
0x376: {  	v2 =	vor.u32 v2, v3  }
0x377: {  	v2 =	vperm.xlane v2, v0;
	_ =	sdelay $0x1  }
0x378: {  	v2 =	vadd.s32 v1, v2;
	_ =	sdelay $0x4  }
0x379: {  	[tilespmem:s31], [sflag:$0x4] =	stream.indirect_vreg.gather [hbm4b:s1+s3], $0x80, v2, vm0, $0xb8;
	[tilespmem:$0x1C100] =	vst v63  }
0x37a: {  	s28 =	simm.s32 $0xC900  }
0x37b: {  	[tilespmem:s28], [sflag:$0x4] =	stream.indirect_vreg.gather [hbm4b:s5+s3], $0x80, v2, vm0, $0xb8;
	[tilespmem:$0x1C100] =	vst v63  }
0x37c: {  	s28 =	simm.s32 $0xD100  }
0x37d: {  	[tilespmem:s28], [sflag:$0x4] =	stream.indirect_vreg.gather [hbm4b:s6+s3], $0x80, v2, vm0, $0xb8;
	[tilespmem:$0x1C100] =	vst v63  }
0x37e: {  	s28 =	simm.s32 $0xD900  }
0x37f: {  	[tilespmem:s28], [sflag:$0x4] =	stream.indirect_vreg.gather [hbm4b:s7+s3], $0x80, v2, vm0, $0xb8;
	[tilespmem:$0x1C100] =	vst v63  }
0x380: {  	s28 =	simm.s32 $0xE100  }
0x381: {  	[tilespmem:s28], [sflag:$0x4] =	stream.indirect_vreg.gather [hbm4b:s8+s3], $0x80, v2, vm0, $0xb8;
	[tilespmem:$0x1C100] =	vst v63  }
0x382: {  	s14 =	simm.s32 $0xE900  }
0x383: {  	[tilespmem:s14], [sflag:$0x4] =	stream.indirect_vreg.gather [hbm4b:s9+s3], $0x80, v2, vm0, $0xb8;
	[tilespmem:$0x1C100] =	vst v63  }
0x384: {  	s28 =	simm.s32 $0xF100  }
0x385: {  	[tilespmem:s28], [sflag:$0x4] =	stream.indirect_vreg.gather [hbm4b:s10+s3], $0x80, v2, vm0, $0xb8;
	[tilespmem:$0x1C100] =	vst v63  }
0x386: {  	s28 =	simm.s32 $0xF900  }
0x387: {  	[tilespmem:s28], [sflag:$0x4] =	stream.indirect_vreg.gather [hbm4b:s11+s3], $0x80, v2, vm0, $0xb8;
	[tilespmem:$0x1C100] =	vst v63  }
0x388: {  	s14 =	sld [smem:$0x7F8];
	_ =	swait.ge [sflag:s21], $0x4000  }
0x389: {  	[sflag:s21] =	ssyncset.done $0x0  }
0x38a: {  	s28 =	rddreg [dreg:$0x1d];
	[sflag:s21] =	ssyncadd.s32 $0xFFFFC000;
	s21 =	simm.s32 $0x10100  }
0x38b: {  	[hbm4b:s28+s3] =	stream.linear.scatter [tilespmem:s21], [sflag:$0xC], $0x4000, $0x38;
	[tilespmem:$0x1C100] =	vst v63  }
0x38c: {  	_ =	swait.ge [sflag:s24], $0x4000  }
0x38d: {  	[sflag:s24] =	ssyncset.done $0x0  }
0x38e: {  	s29 =	simm.s32 $0x14100;
	s21 =	rddreg [dreg:$0x1e];
	[sflag:s24] =	ssyncadd.s32 $0xFFFFC000  }
0x38f: {  	[hbm4b:s21+s3] =	stream.linear.scatter [tilespmem:s29], [sflag:$0xD], $0x4000, $0x38;
	[tilespmem:$0x1C100] =	vst v63  }
0x390: {  	_ =	swait.ge [sflag:s26], $0x4000  }
0x391: {  	[sflag:s26] =	ssyncset.done $0x0  }
0x392: {  	s20 =	simm.s32 $0x18100;
	s21 =	rddreg [dreg:$0x1f];
	[sflag:s26] =	ssyncadd.s32 $0xFFFFC000  }
0x393: {  	[hbm4b:s21+s3] =	stream.linear.scatter [tilespmem:s20], [sflag:$0xE], $0x4000, $0x38;
	[tilespmem:$0x1C100] =	vst v63  }
0x394: {  	_ =	swait.ge [sflag:s2], $0x4000  }
0x395: {  	s24 =	sld [smem:$0x7F9]  }
0x396: {  	[sflag:s2] =	ssyncset.done $0x0  }
0x397: {  	s30 =	simm.s32 $0x100;
	[sflag:s2] =	ssyncadd.s32 $0xFFFFC000  }
0x398: {  	[hbm4b:s24+s3] =	stream.linear.scatter [tilespmem:s30], [sflag:$0x8], $0x4000, $0x38;
	[tilespmem:$0x1C100] =	vst v63  }
0x399: {  	_ =	swait.ge [sflag:s13], $0x4000  }
0x39a: {  	s26 =	sld [smem:$0x7FA]  }
0x39b: {  	[sflag:s13] =	ssyncset.done $0x0  }
0x39c: {  	s22 =	simm.s32 $0x4100;
	[sflag:s13] =	ssyncadd.s32 $0xFFFFC000  }
0x39d: {  	[hbm4b:s26+s3] =	stream.linear.scatter [tilespmem:s22], [sflag:$0x9], $0x4000, $0x38;
	[tilespmem:$0x1C100] =	vst v63  }
0x39e: {  	_ =	swait.ge [sflag:s15], $0x4000  }
0x39f: {  	s29 =	sld [smem:$0x7FB]  }
0x3a0: {  	[sflag:s15] =	ssyncset.done $0x0  }
0x3a1: {  	s18 =	simm.s32 $0x8100;
	[sflag:s15] =	ssyncadd.s32 $0xFFFFC000  }
0x3a2: {  	[hbm4b:s29+s3] =	stream.linear.scatter [tilespmem:s18], [sflag:$0xA], $0x4000, $0x38;
	[tilespmem:$0x1C100] =	vst v63  }
0x3a3: {  	_ =	swait.ge [sflag:s17], $0x4000  }
0x3a4: {  	s30 =	sld [smem:$0x7FD]  }
0x3a5: {  	[sflag:s17] =	ssyncset.done $0x0  }
0x3a6: {  	s31 =	simm.s32 $0xC100;
	[sflag:s17] =	ssyncadd.s32 $0xFFFFC000  }
0x3a7: {  	[hbm4b:s30+s3] =	stream.linear.scatter [tilespmem:s31], [sflag:$0xB], $0x4000, $0x38;
	[tilespmem:$0x1C100] =	vst v63  }
0x3a8: {  	_ =	swait.ge [sflag:s0], $0x4000  }
0x3a9: {  	[sflag:s0] =	ssyncset.done $0x0  }
0x3aa: {  	[sflag:s0] =	ssyncadd.s32 $0xFFFFC000  }
0x3ab: {  	_ =	swait.ge [sflag:s4], $0x4000  }
0x3ac: {  	[sflag:s4] =	ssyncset.done $0x0  }
0x3ad: {  	[sflag:s4] =	ssyncadd.s32 $0xFFFFC000  }
0x3ae: {  	_ =	swait.ge [sflag:s16], $0x4000  }
0x3af: {  	[sflag:s16] =	ssyncset.done $0x0  }
0x3b0: {  	[sflag:s16] =	ssyncadd.s32 $0xFFFFC000  }
0x3b1: {  	_ =	swait.ge [sflag:s19], $0x4000  }
0x3b2: {  	[sflag:s19] =	ssyncset.done $0x0  }
0x3b3: {  	[sflag:s19] =	ssyncadd.s32 $0xFFFFC000  }
0x3b4: {  	_ =	swait.ge [sflag:s23], $0x4000  }
0x3b5: {  	[sflag:s23] =	ssyncset.done $0x0  }
0x3b6: {  	[sflag:s23] =	ssyncadd.s32 $0xFFFFC000  }
0x3b7: {  	p0 =	sne.s32 s14, $0x1;
	_ =	swait.ge [sflag:s25], $0x4000  }
.Ltmp0:
0x3b8: {  	[sflag:s25] =	ssyncset.done $0x0;
	(pc) =	sbr.rel @p0 .LBB2_1-.Ltmp0, $4  }
0x3b9: {  	[sflag:s25] =	ssyncadd.s32 $0xFFFFC000  }
0x3ba: {  	_ =	swait.ge [sflag:s12], $0x4000  }
0x3bb: {  	[sflag:s12] =	ssyncset.done $0x0  }
0x3bc: {  	s14 =	sadd.s32 $0xFFFFFFFF, s14;
	[sflag:s12] =	ssyncadd.s32 $0xFFFFC000  }
0x3bd: {  	_ =	sfence.sel $0x180000  }
0x3be: {  	[bflag:$0x0] =	sbarrier.arrive $0xFFFF  }
0x3bf: {  	_ =	strace $0x90000047  }
0x3c0: {  	s0 =	stileid.u32;
	[bflag:$0x2] =	sbarrier.arrive $0xFFFF  }
0x3c1: {  	p0 =	sne.s32 s0, $0x0;
	s0 =	rddreg [dreg:$0x3]  }
0x3c2: {  	s0 =	sadd.s32 @!p0 $0x100000, s0  }
0x3c3: {  	[sflag:s0] =	ssyncadd.tile.s32 @!p0 $0x1;
	_ =	shalt  }
.Lfunc_end2:
_tile_overlayer_lowered:
.L_overlay_start_2:
0x3c4: {  	(tag) =	ssettag $0x2  }
0x3c5: {  	s0 =	rddreg [dreg:$0x0];
	s2 =	stileid.u32  }
0x3c6: {  	s1 =	rddreg [dreg:$0x1];
	p0 =	sne.s32 s2, $0x0  }
0x3c7: {  	s3 =	rddreg [dreg:$0x2];
	[bflag:$0x3] =	sbarrier.arrive $0xFFFF;
	s2 =	simm.s32 @!p0 $0x1C0F  }
0x3c8: {  	[timem:s3], [sflag:s2] =	dma.local @!p0 [hbm:s0], s1  }
0x3c9: {  	s0 =	simm.s32 @!p0 $0xF  }
0x3ca: {  	_ =	swait.ge @!p0 [sflag:s0], s1  }
0x3cb: {  	s1 =	ssub.s32 @!p0 $0x0, s1;
	[sflag:s0] =	ssyncset.done @!p0 $0x0  }
0x3cc: {  	[sflag:s0] =	ssyncadd.s32 @!p0 s1  }
0x3cd: {  	[bflag:$0x3] =	sbarrier.arrive $0xFFFF  }
0x3ce: {  	_ =	shalt  }

</sc_bundles>
